<compile_context>
chip_gen: v7x
topology: tpu7x:2x2x1
jax: 0.10.2.dev20260603
libtpu: 0.0.44.dev20260713+nightly
codegen_flags: <defaults>
</compile_context>

<pallas_src>
import functools

import jax
import jax.numpy as jnp
from jax import lax
from jax.experimental import pallas as pl
from jax.experimental.pallas import tpu as pltpu
from jax.experimental.pallas import tpu_sc as plsc

B, C, H, W = 8, 3, 512, 512
NW = 32
ROWS_PER_W = (B * H) // NW
CHR = 8
CH = CHR * W
NCHUNK = ROWS_PER_W // CHR
TBL = 4096 * 3


def _body(flow_hbm, slab_hbm, out_hbm, slab_v,
          tbl0, tbl1, tbl2,
          dx0, dy0, o0, dx1, dy1, o1,
          dirty,
          isem0, osem0, isem1, osem1):
    cid = lax.axis_index("c")
    sid = lax.axis_index("s")
    wid = sid * 2 + cid
    b = wid // 4
    q = wid % 4
    row0 = q * ROWS_PER_W

    kb = b * W
    lane = lax.iota(jnp.int32, 16)
    lane3 = lane * 3

    slots = ((dx0, dy0, o0, isem0, osem0), (dx1, dy1, o1, isem1, osem1))

    def chunk_r0(ci):
        return (q + 4 * ci) * CHR

    def start_in(ci, dxb, dyb, sem):
        r0 = chunk_r0(ci)
        pltpu.async_copy(flow_hbm.at[b, 0, pl.ds(r0, CHR), :], dxb, sem)
        pltpu.async_copy(flow_hbm.at[b, 1, pl.ds(r0, CHR), :], dyb, sem)

    start_in(0, dx0, dy0, isem0)
    dirty[0] = 1
    dirty[1] = 1
    pltpu.sync_copy(slab_hbm, slab_v)

    @plsc.parallel_loop(0, TBL // 16, 1, unroll=4)
    def _t(i):
        b16 = i * 16
        idx3 = (lane + b16) * 3
        for c, tbl_c in enumerate((tbl0, tbl1, tbl2)):
            tbl_c[pl.ds(b16, 16)] = plsc.load_gather(slab_v, [idx3 + c])

    @pl.loop(0, NCHUNK, step=2)
    def _pair(ci0):
        for s in range(2):
            dxb, dyb, ob, isem, osem = slots[s]
            ndxb, ndyb, _, nisem, _ = slots[1 - s]
            ci = ci0 + s
            r0 = chunk_r0(ci)

            @pl.when(ci + 1 < NCHUNK)
            def _():
                start_in(ci + 1, ndxb, ndyb, nisem)

            pltpu.make_async_copy(flow_hbm.at[b, 0, pl.ds(0, CHR), :], dxb, isem).wait()
            pltpu.make_async_copy(flow_hbm.at[b, 1, pl.ds(0, CHR), :], dyb, isem).wait()

            @pl.when(ci >= 2)
            def _():
                pltpu.make_async_copy(ob, out_hbm.at[0, pl.ds(0, 3 * CHR), :], osem).wait()

            zv = jnp.zeros((16,), jnp.float32)

            @pl.when(dirty[s] != 0)
            def _prezero():
                @pl.loop(0, 3 * CHR)
                def _zrow(zr):
                    @plsc.parallel_loop(0, W // 16, 1, unroll=4)
                    def _zvec(zc):
                        ob[zr, pl.ds(zc * 16, 16)] = zv

                dirty[s] = 0

            @pl.loop(0, CHR)
            def _row(r):
                h = r0 + r
                hf = lax.broadcast(h, (16,)).astype(jnp.float32)

                @plsc.parallel_loop(0, W // 16, 1, unroll=8,
                                    carry=jnp.zeros((16,), jnp.bool_))
                def _scan(vc, acc):
                    dy = dyb[r, pl.ds(vc * 16, 16)]
                    yv = hf + dy * 64.0
                    return acc | ((yv >= 0.0) & (yv < 2.0))

                cnt = plsc.all_reduce_population_count(_scan)

                @pl.when(cnt[0] > 0)
                def _active_row():
                    dirty[s] = 1

                    @plsc.parallel_loop(0, W // 16, 1, unroll=1)
                    def _vec(vc):
                        col = vc * 16
                        dy = dyb[r, pl.ds(col, 16)]
                        y = hf + dy * 64.0
                        act = (y >= 0.0) & (y < 2.0)
                        dx = dxb[r, pl.ds(col, 16)]
                        wv = (lane + col).astype(jnp.float32)
                        x = wv + dx * 64.0
                        xcc = jnp.clip(x, -1.0, 512.0)
                        ycc = jnp.clip(y, -1.0, 3.0)
                        xt = xcc.astype(jnp.int32).astype(jnp.float32)
                        flx = jnp.where(xt > xcc, xt - 1.0, xt)
                        yt = ycc.astype(jnp.int32).astype(jnp.float32)
                        fly = jnp.where(yt > ycc, yt - 1.0, yt)
                        x0c = jnp.clip(flx, 0.0, 511.0)
                        x1c = jnp.clip(flx + 1.0, 0.0, 511.0)
                        y0c = jnp.clip(fly, 0.0, 2.0)
                        y1c = jnp.clip(fly + 1.0, 0.0, 2.0)
                        xw0 = x1c - x
                        xw1 = x - x0c
                        yw0 = y1c - y
                        yw1 = y - y0c
                        ka0 = x0c.astype(jnp.int32) + kb
                        ka1 = x1c.astype(jnp.int32) + kb
                        ya = y0c.astype(jnp.int32) * 4096
                        yb = y1c.astype(jnp.int32) * 4096
                        ra = ya + ka0
                        rb = yb + ka0
                        rc = ya + ka1
                        rd = yb + ka1
                        obase = (r * W + col) * 3
                        for c, tbl_c in enumerate((tbl0, tbl1, tbl2)):
                            ta = plsc.load_gather(tbl_c, [ra], mask=act)
                            tb = plsc.load_gather(tbl_c, [rb], mask=act)
                            tc = plsc.load_gather(tbl_c, [rc], mask=act)
                            td = plsc.load_gather(tbl_c, [rd], mask=act)
                            m0 = xw0 * ta + xw1 * tc
                            m1 = xw0 * tb + xw1 * td
                            res = yw0 * m0 + yw1 * m1
                            fi = obase + lane3 + c
                            plsc.store_scatter(ob, [fi >> 9, fi & (W - 1)],
                                               res, mask=act)

            pltpu.async_copy(ob, out_hbm.at[b, pl.ds(3 * r0, 3 * CHR), :], osem)

    for s in range(2):
        _, _, ob, _, osem = slots[s]
        pltpu.make_async_copy(ob, out_hbm.at[0, pl.ds(0, 3 * CHR), :], osem).wait()


@functools.partial(jax.jit, donate_argnums=())
def kernel(flow, pqf):
    slab = pqf[0:3, 0, 0:24, :].reshape(-1)

    mesh = plsc.VectorSubcoreMesh(core_axis_name="c", subcore_axis_name="s")
    call = pl.kernel(
        _body,
        out_type=jax.ShapeDtypeStruct((B, C * H, W), jnp.float32),
        mesh=mesh,
        scratch_types=[
            pltpu.VMEM((3 * TBL,), jnp.float32),
            pltpu.VMEM((TBL,), jnp.float32),
            pltpu.VMEM((TBL,), jnp.float32),
            pltpu.VMEM((TBL,), jnp.float32),
            pltpu.VMEM((CHR, W), jnp.float32),
            pltpu.VMEM((CHR, W), jnp.float32),
            pltpu.VMEM((3 * CHR, W), jnp.float32),
            pltpu.VMEM((CHR, W), jnp.float32),
            pltpu.VMEM((CHR, W), jnp.float32),
            pltpu.VMEM((3 * CHR, W), jnp.float32),
            pltpu.SMEM((2,), jnp.int32),
            pltpu.SemaphoreType.DMA,
            pltpu.SemaphoreType.DMA,
            pltpu.SemaphoreType.DMA,
            pltpu.SemaphoreType.DMA,
        ],
        compiler_params=pltpu.CompilerParams(needs_layout_passes=False),
    )
    out = call(flow, slab)
    return out.reshape(B, C, H, W)

# --- scband reference (transcript-rebuilt; emitter-appended) ---
"""Pipeline reference for scband-transformer-66529043415377 (READ-ONLY COPY).

The authoritative reference and input builder live on the scoring server;
editing this copy changes nothing except your own understanding.
"""

import jax, jax.numpy as jnp
import numpy as np


def setup_inputs(seed: int = 0) -> dict:
    key = jax.random.key(seed)
    k1, k2 = jax.random.split(key)
    flow = jax.random.normal(k1, (8, 2, 512, 512), dtype=jnp.float32)
    pqf = jax.random.normal(k2, (8, 3, 512, 512), dtype=jnp.float32)
    return {"flow": flow, "pqf": pqf}


def reference(flow, pqf):
    # Faithful translation of Transformer.__call__ (flow-based bilinear warp,
    # including the original module's idiosyncratic index arithmetic:
    # max_y = C-1, max_x = H-1, im_flat = im.view(-1, C)).
    B, C, H, W = pqf.shape
    out_h, out_w = H, W
    dx = flow[:, 0:1]
    dy = flow[:, 1:2]
    x_s = dx.reshape(-1).astype(jnp.float32)
    y_s = dy.reshape(-1).astype(jnp.float32)
    max_y = float(C - 1)
    max_x = float(H - 1)
    # repeat2(arange(W), H*B): tile arange(W) H*B times
    x = jnp.tile(jnp.arange(W, dtype=jnp.float32), H * B) + x_s * 64.0
    # repeat2(repeat(arange(H), W), B): each h repeated W times, tiled B times
    y = jnp.tile(jnp.repeat(jnp.arange(H, dtype=jnp.float32), W), B) + y_s * 64.0
    x0 = jnp.floor(x)
    x1 = x0 + 1.0
    y0 = jnp.floor(y)
    y1 = y0 + 1.0
    x0 = jnp.clip(x0, 0.0, max_x)
    x1 = jnp.clip(x1, 0.0, max_x)
    y0 = jnp.clip(y0, 0.0, max_y)
    y1 = jnp.clip(y1, 0.0, max_y)
    dim1 = W
    dim2 = W * H
    # repeat(arange(B)*dim1, out_h*out_w): each base repeated out_h*out_w times
    base = jnp.repeat(jnp.arange(B, dtype=jnp.float32) * dim1, out_h * out_w)
    base_y0 = base + y0 * dim2
    base_y1 = base + y1 * dim2
    idx_a = (base_y0 + x0).astype(jnp.int32)
    idx_b = (base_y1 + x0).astype(jnp.int32)
    idx_c = (base_y0 + x1).astype(jnp.int32)
    idx_d = (base_y1 + x1).astype(jnp.int32)
    im_flat = pqf.reshape(-1, C).astype(jnp.float32)
    i_a = jnp.take(im_flat, idx_a, axis=0)
    i_b = jnp.take(im_flat, idx_b, axis=0)
    i_c = jnp.take(im_flat, idx_c, axis=0)
    i_d = jnp.take(im_flat, idx_d, axis=0)
    wa = ((x1 - x) * (y1 - y))[:, None]
    wb = ((x1 - x) * (y - y0))[:, None]
    wc = ((x - x0) * (y1 - y))[:, None]
    wd = ((x - x0) * (y - y0))[:, None]
    output = wa * i_a + wb * i_b + wc * i_c + wd * i_d
    return output.reshape(B, C, out_h, out_w)

if __name__ == "__main__":
    import jax
    _d = setup_inputs()
    print(jax.jit(kernel)(*tuple(_d.values())))

</pallas_src>

<mosaic_0001>
#map = affine_map<(d0, d1) -> (0, 0, 0, 0)>
#map1 = affine_map<(d0, d1) -> (0)>
#map2 = affine_map<(d0, d1) -> (0, 0, 0)>
module attributes {stable_mosaic.version = 14 : i64} {
  func.func @_body(%arg0: i32, %arg1: i32, %arg2: memref<8x2x512x512xf32, #tpu.memory_space<hbm>>, %arg3: memref<36864xf32, #tpu.memory_space<hbm>>, %arg4: memref<8x1536x512xf32, #tpu.memory_space<hbm>>, %arg5: memref<36864xf32, #tpu.memory_space<vmem>>, %arg6: memref<12288xf32, #tpu.memory_space<vmem>>, %arg7: memref<12288xf32, #tpu.memory_space<vmem>>, %arg8: memref<12288xf32, #tpu.memory_space<vmem>>, %arg9: memref<8x512xf32, #tpu.memory_space<vmem>>, %arg10: memref<8x512xf32, #tpu.memory_space<vmem>>, %arg11: memref<24x512xf32, #tpu.memory_space<vmem>>, %arg12: memref<8x512xf32, #tpu.memory_space<vmem>>, %arg13: memref<8x512xf32, #tpu.memory_space<vmem>>, %arg14: memref<24x512xf32, #tpu.memory_space<vmem>>, %arg15: memref<2xi32, #tpu.memory_space<smem>>, %arg16: memref<!tpu.dma_semaphore, #tpu.memory_space<semaphore_mem>>, %arg17: memref<!tpu.dma_semaphore, #tpu.memory_space<semaphore_mem>>, %arg18: memref<!tpu.dma_semaphore, #tpu.memory_space<semaphore_mem>>, %arg19: memref<!tpu.dma_semaphore, #tpu.memory_space<semaphore_mem>>) attributes {dimension_semantics = [#tpu.dimension_semantics<core_parallel>, #tpu.dimension_semantics<subcore_parallel>], iteration_bounds = array<i64: 2, 16>, scalar_prefetch = 0 : i64, scratch_operands = 15 : i64, tpu.core_type = #tpu.core_type<sc_vector_subcore>, window_params = [{transform_indices = #map}, {transform_indices = #map1}, {transform_indices = #map2}]} {
    %mul3A = arith.constant 2 : i32
    %mul3A_0 = arith.muli %arg1, %mul3A : i32
    %add3A = arith.addi %mul3A_0, %arg0 : i32
    %jit3A = arith.constant 4 : i32
    %div3A = arith.divsi %add3A, %jit3A : i32
    %sign3A = arith.constant 0 : i32
    %sign3A_1 = arith.cmpi sgt, %add3A, %sign3A : i32
    %sign3A_2 = arith.extui %sign3A_1 : i1 to i32
    %sign3A_3 = arith.constant 0 : i32
    %sign3A_4 = arith.cmpi slt, %add3A, %sign3A_3 : i32
    %sign3A_5 = arith.extui %sign3A_4 : i1 to i32
    %sign3A_6 = arith.subi %sign3A_2, %sign3A_5 : i32
    %sign3A_7 = arith.constant 0 : i32
    %sign3A_8 = arith.cmpi sgt, %jit3A, %sign3A_7 : i32
    %sign3A_9 = arith.extui %sign3A_8 : i1 to i32
    %sign3A_10 = arith.constant 0 : i32
    %sign3A_11 = arith.cmpi slt, %jit3A, %sign3A_10 : i32
    %sign3A_12 = arith.extui %sign3A_11 : i1 to i32
    %sign3A_13 = arith.subi %sign3A_9, %sign3A_12 : i32
    %ne3A = arith.cmpi ne, %sign3A_6, %sign3A_13 : i32
    %rem3A = arith.remsi %add3A, %jit3A : i32
    %ne3A_14 = arith.constant 0 : i32
    %ne3A_15 = arith.cmpi ne, %rem3A, %ne3A_14 : i32
    %and3A = arith.andi %ne3A, %ne3A_15 : i1
    %sub3A = arith.constant 1 : i32
    %sub3A_16 = arith.subi %div3A, %sub3A : i32
    %select_n3A = arith.select %and3A, %sub3A_16, %div3A : i32
    %jit3A_17 = arith.constant 4 : i32
    %eq3A = arith.constant 0 : i32
    %eq3A_18 = arith.cmpi eq, %jit3A_17, %eq3A : i32
    %jit3A_19 = arith.constant 1 : i32
    %select_n3A_20 = arith.select %eq3A_18, %jit3A_19, %jit3A_17 : i32
    %rem3A_21 = arith.remsi %add3A, %select_n3A_20 : i32
    %ne3A_22 = arith.constant 0 : i32
    %ne3A_23 = arith.cmpi ne, %rem3A_21, %ne3A_22 : i32
    %lt3A = arith.constant 0 : i32
    %lt3A_24 = arith.cmpi slt, %rem3A_21, %lt3A : i32
    %lt3A_25 = arith.constant 0 : i32
    %lt3A_26 = arith.cmpi slt, %select_n3A_20, %lt3A_25 : i32
    %ne3A_27 = arith.xori %lt3A_24, %lt3A_26 : i1
    %and3A_28 = arith.andi %ne3A_27, %ne3A_23 : i1
    %add3A_29 = arith.addi %rem3A_21, %select_n3A_20 : i32
    %select_n3A_30 = arith.select %and3A_28, %add3A_29, %rem3A_21 : i32
    %mul3A_31 = arith.constant 128 : i32
    %mul3A_32 = arith.muli %select_n3A_30, %mul3A_31 : i32
    %mul3A_33 = arith.constant 512 : i32
    %mul3A_34 = arith.muli %select_n3A, %mul3A_33 : i32
    %iota3A = tpu.iota {dimensions = array<i32: 0>} : vector<16xi32>
    %mul3A_35 = arith.constant 3 : i32
    %mul3A_36 = vector.broadcast %mul3A_35 : i32 to vector<16xi32>
    %mul3A_37 = arith.muli %iota3A, %mul3A_36 : vector<16xi32>
    %add3A_38 = arith.constant 0 : i32
    %add3A_39 = arith.addi %select_n3A_30, %add3A_38 : i32
    %mul3A_40 = arith.constant 8 : i32
    %mul3A_41 = arith.muli %add3A_39, %mul3A_40 : i32
    %dma_start3A = arith.constant 0 : i32
    %dma_start3A_42 = arith.constant 0 : i32
    %dma_start3A_43 = tpu.memref_slice %arg2[%select_n3A, %dma_start3A, %mul3A_41, %dma_start3A_42] : memref<8x2x512x512xf32, #tpu.memory_space<hbm>> -> memref<1x1x8x512xf32, #tpu.memory_space<hbm>>
    %dma_start3A_44 = tpu.memref_squeeze %dma_start3A_43 : memref<1x1x8x512xf32, #tpu.memory_space<hbm>> -> memref<8x512xf32, #tpu.memory_space<hbm>>
    %dma_start3A_45 = arith.constant 0 : i32
    %dma_start3A_46 = tpu.memref_slice %arg2[%select_n3A, %dma_start3A, %mul3A_41, %dma_start3A_45] : memref<8x2x512x512xf32, #tpu.memory_space<hbm>> -> memref<1x1x8x512xf32, #tpu.memory_space<hbm>>
    %dma_start3A_47 = tpu.memref_squeeze %dma_start3A_46 : memref<1x1x8x512xf32, #tpu.memory_space<hbm>> -> memref<8x512xf32, #tpu.memory_space<hbm>>
    tpu.enqueue_dma source(%dma_start3A_47 : memref<8x512xf32, #tpu.memory_space<hbm>>) target(%arg9 : memref<8x512xf32, #tpu.memory_space<vmem>>) target_semaphore(%arg16 : memref<!tpu.dma_semaphore, #tpu.memory_space<semaphore_mem>>)
    %dma_start3A_48 = arith.constant 1 : i32
    %dma_start3A_49 = arith.constant 0 : i32
    %dma_start3A_50 = tpu.memref_slice %arg2[%select_n3A, %dma_start3A_48, %mul3A_41, %dma_start3A_49] : memref<8x2x512x512xf32, #tpu.memory_space<hbm>> -> memref<1x1x8x512xf32, #tpu.memory_space<hbm>>
    %dma_start3A_51 = tpu.memref_squeeze %dma_start3A_50 : memref<1x1x8x512xf32, #tpu.memory_space<hbm>> -> memref<8x512xf32, #tpu.memory_space<hbm>>
    %dma_start3A_52 = arith.constant 0 : i32
    %dma_start3A_53 = tpu.memref_slice %arg2[%select_n3A, %dma_start3A_48, %mul3A_41, %dma_start3A_52] : memref<8x2x512x512xf32, #tpu.memory_space<hbm>> -> memref<1x1x8x512xf32, #tpu.memory_space<hbm>>
    %dma_start3A_54 = tpu.memref_squeeze %dma_start3A_53 : memref<1x1x8x512xf32, #tpu.memory_space<hbm>> -> memref<8x512xf32, #tpu.memory_space<hbm>>
    tpu.enqueue_dma source(%dma_start3A_54 : memref<8x512xf32, #tpu.memory_space<hbm>>) target(%arg10 : memref<8x512xf32, #tpu.memory_space<vmem>>) target_semaphore(%arg16 : memref<!tpu.dma_semaphore, #tpu.memory_space<semaphore_mem>>)
    %swap3A = arith.constant 1 : i32
    %swap3A_55 = arith.constant 0 : i32
    %swap3A_56 = arith.index_cast %swap3A_55 : i32 to index
    %swap3A_57 = memref.load %arg15[%swap3A_56] : memref<2xi32, #tpu.memory_space<smem>>
    memref.store %swap3A, %arg15[%swap3A_56] : memref<2xi32, #tpu.memory_space<smem>>
    %swap3A_58 = arith.constant 1 : i32
    %swap3A_59 = arith.constant 1 : i32
    %swap3A_60 = arith.index_cast %swap3A_59 : i32 to index
    %swap3A_61 = memref.load %arg15[%swap3A_60] : memref<2xi32, #tpu.memory_space<smem>>
    memref.store %swap3A_58, %arg15[%swap3A_60] : memref<2xi32, #tpu.memory_space<smem>>
    "tpu.region"() ({
      %run_scoped3A = tpu.sem_alloc : memref<!tpu.dma_semaphore, #tpu.memory_space<semaphore_mem>>
      tpu.enqueue_dma source(%arg3 : memref<36864xf32, #tpu.memory_space<hbm>>) target(%arg5 : memref<36864xf32, #tpu.memory_space<vmem>>) target_semaphore(%run_scoped3A : memref<!tpu.dma_semaphore, #tpu.memory_space<semaphore_mem>>)
      tpu.wait_dma2 semaphore(%run_scoped3A : memref<!tpu.dma_semaphore, #tpu.memory_space<semaphore_mem>>) src(%arg3 : memref<36864xf32, #tpu.memory_space<hbm>>) dst(%arg5 : memref<36864xf32, #tpu.memory_space<vmem>>)
      tpu.yield
    }) : () -> ()
    %parallel_loop3A = arith.constant 0 : i32
    %parallel_loop3A_62 = arith.constant 768 : i32
    %parallel_loop3A_63 = arith.constant 1 : i32
    scf.for %parallel_loop3A_85 = %parallel_loop3A to %parallel_loop3A_62 step %parallel_loop3A_63  : i32 {
      %parallel_loop3A_86 = arith.constant 16 : i32
      %parallel_loop3A_87 = arith.muli %parallel_loop3A_85, %parallel_loop3A_86 : i32
      %parallel_loop3A_88 = vector.broadcast %parallel_loop3A_87 : i32 to vector<16xi32>
      %parallel_loop3A_89 = arith.addi %iota3A, %parallel_loop3A_88 : vector<16xi32>
      %parallel_loop3A_90 = arith.constant 3 : i32
      %parallel_loop3A_91 = vector.broadcast %parallel_loop3A_90 : i32 to vector<16xi32>
      %parallel_loop3A_92 = arith.muli %parallel_loop3A_89, %parallel_loop3A_91 : vector<16xi32>
      %parallel_loop3A_93 = arith.constant 0 : i32
      %parallel_loop3A_94 = vector.broadcast %parallel_loop3A_93 : i32 to vector<16xi32>
      %parallel_loop3A_95 = arith.addi %parallel_loop3A_92, %parallel_loop3A_94 : vector<16xi32>
      %parallel_loop3A_96 = tpu.vector_load_idx %arg5[%parallel_loop3A_95] : memref<36864xf32, #tpu.memory_space<vmem>>[vector<16xi32>], vector<16xf32>,
      %parallel_loop3A_97 = arith.index_cast %parallel_loop3A_87 : i32 to index
      %parallel_loop3A_98 = tpu.vector_load %arg6[%parallel_loop3A_97] {strides = array<i32>} : memref<12288xf32, #tpu.memory_space<vmem>>, vector<16xf32>,
      tpu.vector_store %arg6[%parallel_loop3A_97], %parallel_loop3A_96 {strides = array<i32>} : memref<12288xf32, #tpu.memory_space<vmem>>, vector<16xf32>,
      %parallel_loop3A_99 = arith.constant 1 : i32
      %parallel_loop3A_100 = vector.broadcast %parallel_loop3A_99 : i32 to vector<16xi32>
      %parallel_loop3A_101 = arith.addi %parallel_loop3A_92, %parallel_loop3A_100 : vector<16xi32>
      %parallel_loop3A_102 = tpu.vector_load_idx %arg5[%parallel_loop3A_101] : memref<36864xf32, #tpu.memory_space<vmem>>[vector<16xi32>], vector<16xf32>,
      %parallel_loop3A_103 = arith.index_cast %parallel_loop3A_87 : i32 to index
      %parallel_loop3A_104 = tpu.vector_load %arg7[%parallel_loop3A_103] {strides = array<i32>} : memref<12288xf32, #tpu.memory_space<vmem>>, vector<16xf32>,
      tpu.vector_store %arg7[%parallel_loop3A_103], %parallel_loop3A_102 {strides = array<i32>} : memref<12288xf32, #tpu.memory_space<vmem>>, vector<16xf32>,
      %parallel_loop3A_105 = arith.constant 2 : i32
      %parallel_loop3A_106 = vector.broadcast %parallel_loop3A_105 : i32 to vector<16xi32>
      %parallel_loop3A_107 = arith.addi %parallel_loop3A_92, %parallel_loop3A_106 : vector<16xi32>
      %parallel_loop3A_108 = tpu.vector_load_idx %arg5[%parallel_loop3A_107] : memref<36864xf32, #tpu.memory_space<vmem>>[vector<16xi32>], vector<16xf32>,
      %parallel_loop3A_109 = arith.index_cast %parallel_loop3A_87 : i32 to index
      %parallel_loop3A_110 = tpu.vector_load %arg8[%parallel_loop3A_109] {strides = array<i32>} : memref<12288xf32, #tpu.memory_space<vmem>>, vector<16xf32>,
      tpu.vector_store %arg8[%parallel_loop3A_109], %parallel_loop3A_108 {strides = array<i32>} : memref<12288xf32, #tpu.memory_space<vmem>>, vector<16xf32>,
    } {sc.loop_unroll_factor = 4 : i64, sc.parallel_access}
    %scan3A = arith.constant 0 : i32
    %scan3A_64 = arith.constant 8 : i32
    %scan3A_65 = arith.addi %scan3A, %scan3A_64 : i32
    %scan3A_66 = arith.constant 1 : i32
    scf.for %scan3A_85 = %scan3A to %scan3A_65 step %scan3A_66  : i32 {
      %mul3A_86 = arith.constant 2 : i32
      %mul3A_87 = arith.muli %scan3A_85, %mul3A_86 : i32
      %add3A_88 = arith.constant 0 : i32
      %add3A_89 = arith.addi %add3A_88, %mul3A_87 : i32
      %add3A_90 = arith.constant 0 : i32
      %add3A_91 = arith.addi %add3A_89, %add3A_90 : i32
      %mul3A_92 = arith.constant 4 : i32
      %mul3A_93 = arith.muli %mul3A_92, %add3A_91 : i32
      %add3A_94 = arith.addi %select_n3A_30, %mul3A_93 : i32
      %mul3A_95 = arith.constant 8 : i32
      %mul3A_96 = arith.muli %add3A_94, %mul3A_95 : i32
      %add3A_97 = arith.constant 1 : i32
      %add3A_98 = arith.addi %add3A_91, %add3A_97 : i32
      %lt3A_99 = arith.constant 16 : i32
      %lt3A_100 = arith.cmpi slt, %add3A_98, %lt3A_99 : i32
      %convert_element_type3A = arith.extui %lt3A_100 : i1 to i32
      %cond3A = arith.constant 0 : i32
      %cond3A_101 = arith.cmpi ne, %convert_element_type3A, %cond3A : i32
      scf.if %cond3A_101 {
        %add3A_205 = arith.constant 1 : i32
        %add3A_206 = arith.addi %add3A_91, %add3A_205 : i32
        %mul3A_207 = arith.constant 4 : i32
        %mul3A_208 = arith.muli %mul3A_207, %add3A_206 : i32
        %add3A_209 = arith.addi %select_n3A_30, %mul3A_208 : i32
        %mul3A_210 = arith.constant 8 : i32
        %mul3A_211 = arith.muli %add3A_209, %mul3A_210 : i32
        %dma_start3A_212 = arith.constant 0 : i32
        %dma_start3A_213 = arith.constant 0 : i32
        %dma_start3A_214 = tpu.memref_slice %arg2[%select_n3A, %dma_start3A_212, %mul3A_211, %dma_start3A_213] : memref<8x2x512x512xf32, #tpu.memory_space<hbm>> -> memref<1x1x8x512xf32, #tpu.memory_space<hbm>>
        %dma_start3A_215 = tpu.memref_squeeze %dma_start3A_214 : memref<1x1x8x512xf32, #tpu.memory_space<hbm>> -> memref<8x512xf32, #tpu.memory_space<hbm>>
        %dma_start3A_216 = arith.constant 0 : i32
        %dma_start3A_217 = tpu.memref_slice %arg2[%select_n3A, %dma_start3A_212, %mul3A_211, %dma_start3A_216] : memref<8x2x512x512xf32, #tpu.memory_space<hbm>> -> memref<1x1x8x512xf32, #tpu.memory_space<hbm>>
        %dma_start3A_218 = tpu.memref_squeeze %dma_start3A_217 : memref<1x1x8x512xf32, #tpu.memory_space<hbm>> -> memref<8x512xf32, #tpu.memory_space<hbm>>
        tpu.enqueue_dma source(%dma_start3A_218 : memref<8x512xf32, #tpu.memory_space<hbm>>) target(%arg12 : memref<8x512xf32, #tpu.memory_space<vmem>>) target_semaphore(%arg18 : memref<!tpu.dma_semaphore, #tpu.memory_space<semaphore_mem>>)
        %dma_start3A_219 = arith.constant 1 : i32
        %dma_start3A_220 = arith.constant 0 : i32
        %dma_start3A_221 = tpu.memref_slice %arg2[%select_n3A, %dma_start3A_219, %mul3A_211, %dma_start3A_220] : memref<8x2x512x512xf32, #tpu.memory_space<hbm>> -> memref<1x1x8x512xf32, #tpu.memory_space<hbm>>
        %dma_start3A_222 = tpu.memref_squeeze %dma_start3A_221 : memref<1x1x8x512xf32, #tpu.memory_space<hbm>> -> memref<8x512xf32, #tpu.memory_space<hbm>>
        %dma_start3A_223 = arith.constant 0 : i32
        %dma_start3A_224 = tpu.memref_slice %arg2[%select_n3A, %dma_start3A_219, %mul3A_211, %dma_start3A_223] : memref<8x2x512x512xf32, #tpu.memory_space<hbm>> -> memref<1x1x8x512xf32, #tpu.memory_space<hbm>>
        %dma_start3A_225 = tpu.memref_squeeze %dma_start3A_224 : memref<1x1x8x512xf32, #tpu.memory_space<hbm>> -> memref<8x512xf32, #tpu.memory_space<hbm>>
        tpu.enqueue_dma source(%dma_start3A_225 : memref<8x512xf32, #tpu.memory_space<hbm>>) target(%arg13 : memref<8x512xf32, #tpu.memory_space<vmem>>) target_semaphore(%arg18 : memref<!tpu.dma_semaphore, #tpu.memory_space<semaphore_mem>>)
      } else {
      }
      %dma_wait3A_102 = arith.constant 0 : i32
      %dma_wait3A_103 = arith.constant 0 : i32
      %dma_wait3A_104 = arith.constant 0 : i32
      %dma_wait3A_105 = tpu.memref_slice %arg2[%select_n3A, %dma_wait3A_102, %dma_wait3A_103, %dma_wait3A_104] : memref<8x2x512x512xf32, #tpu.memory_space<hbm>> -> memref<1x1x8x512xf32, #tpu.memory_space<hbm>>
      %dma_wait3A_106 = tpu.memref_squeeze %dma_wait3A_105 : memref<1x1x8x512xf32, #tpu.memory_space<hbm>> -> memref<8x512xf32, #tpu.memory_space<hbm>>
      %dma_wait3A_107 = arith.constant 0 : i32
      %dma_wait3A_108 = arith.constant 0 : i32
      %dma_wait3A_109 = tpu.memref_slice %arg2[%select_n3A, %dma_wait3A_102, %dma_wait3A_107, %dma_wait3A_108] : memref<8x2x512x512xf32, #tpu.memory_space<hbm>> -> memref<1x1x8x512xf32, #tpu.memory_space<hbm>>
      %dma_wait3A_110 = tpu.memref_squeeze %dma_wait3A_109 : memref<1x1x8x512xf32, #tpu.memory_space<hbm>> -> memref<8x512xf32, #tpu.memory_space<hbm>>
      tpu.wait_dma2 semaphore(%arg16 : memref<!tpu.dma_semaphore, #tpu.memory_space<semaphore_mem>>) src(%dma_wait3A_110 : memref<8x512xf32, #tpu.memory_space<hbm>>) dst(%arg9 : memref<8x512xf32, #tpu.memory_space<vmem>>)
      %dma_wait3A_111 = arith.constant 1 : i32
      %dma_wait3A_112 = arith.constant 0 : i32
      %dma_wait3A_113 = arith.constant 0 : i32
      %dma_wait3A_114 = tpu.memref_slice %arg2[%select_n3A, %dma_wait3A_111, %dma_wait3A_112, %dma_wait3A_113] : memref<8x2x512x512xf32, #tpu.memory_space<hbm>> -> memref<1x1x8x512xf32, #tpu.memory_space<hbm>>
      %dma_wait3A_115 = tpu.memref_squeeze %dma_wait3A_114 : memref<1x1x8x512xf32, #tpu.memory_space<hbm>> -> memref<8x512xf32, #tpu.memory_space<hbm>>
      %dma_wait3A_116 = arith.constant 0 : i32
      %dma_wait3A_117 = arith.constant 0 : i32
      %dma_wait3A_118 = tpu.memref_slice %arg2[%select_n3A, %dma_wait3A_111, %dma_wait3A_116, %dma_wait3A_117] : memref<8x2x512x512xf32, #tpu.memory_space<hbm>> -> memref<1x1x8x512xf32, #tpu.memory_space<hbm>>
      %dma_wait3A_119 = tpu.memref_squeeze %dma_wait3A_118 : memref<1x1x8x512xf32, #tpu.memory_space<hbm>> -> memref<8x512xf32, #tpu.memory_space<hbm>>
      tpu.wait_dma2 semaphore(%arg16 : memref<!tpu.dma_semaphore, #tpu.memory_space<semaphore_mem>>) src(%dma_wait3A_119 : memref<8x512xf32, #tpu.memory_space<hbm>>) dst(%arg10 : memref<8x512xf32, #tpu.memory_space<vmem>>)
      %ge3A = arith.constant 2 : i32
      %ge3A_120 = arith.cmpi sge, %add3A_91, %ge3A : i32
      %convert_element_type3A_121 = arith.extui %ge3A_120 : i1 to i32
      %cond3A_122 = arith.constant 0 : i32
      %cond3A_123 = arith.cmpi ne, %convert_element_type3A_121, %cond3A_122 : i32
      scf.if %cond3A_123 {
        %dma_wait3A_205 = arith.constant 0 : i32
        %dma_wait3A_206 = arith.constant 0 : i32
        %dma_wait3A_207 = arith.constant 0 : i32
        %dma_wait3A_208 = tpu.memref_slice %arg4[%dma_wait3A_205, %dma_wait3A_206, %dma_wait3A_207] : memref<8x1536x512xf32, #tpu.memory_space<hbm>> -> memref<1x24x512xf32, #tpu.memory_space<hbm>>
        %dma_wait3A_209 = tpu.memref_squeeze %dma_wait3A_208 : memref<1x24x512xf32, #tpu.memory_space<hbm>> -> memref<24x512xf32, #tpu.memory_space<hbm>>
        %dma_wait3A_210 = arith.constant 0 : i32
        %dma_wait3A_211 = arith.constant 0 : i32
        %dma_wait3A_212 = tpu.memref_slice %arg4[%dma_wait3A_205, %dma_wait3A_210, %dma_wait3A_211] : memref<8x1536x512xf32, #tpu.memory_space<hbm>> -> memref<1x24x512xf32, #tpu.memory_space<hbm>>
        %dma_wait3A_213 = tpu.memref_squeeze %dma_wait3A_212 : memref<1x24x512xf32, #tpu.memory_space<hbm>> -> memref<24x512xf32, #tpu.memory_space<hbm>>
        tpu.wait_dma2 semaphore(%arg17 : memref<!tpu.dma_semaphore, #tpu.memory_space<semaphore_mem>>) src(%arg11 : memref<24x512xf32, #tpu.memory_space<vmem>>) dst(%dma_wait3A_213 : memref<24x512xf32, #tpu.memory_space<hbm>>)
      } else {
      }
      %broadcast_in_dim3A = arith.constant 0.000000e+00 : f32
      %broadcast_in_dim3A_124 = vector.broadcast %broadcast_in_dim3A : f32 to vector<16xf32>
      %get3A = arith.constant 0 : i32
      %get3A_125 = arith.index_cast %get3A : i32 to index
      %get3A_126 = memref.load %arg15[%get3A_125] : memref<2xi32, #tpu.memory_space<smem>>
      %ne3A_127 = arith.constant 0 : i32
      %ne3A_128 = arith.cmpi ne, %get3A_126, %ne3A_127 : i32
      %convert_element_type3A_129 = arith.extui %ne3A_128 : i1 to i32
      %cond3A_130 = arith.constant 0 : i32
      %cond3A_131 = arith.cmpi ne, %convert_element_type3A_129, %cond3A_130 : i32
      scf.if %cond3A_131 {
        %scan3A_205 = arith.constant 0 : i32
        %scan3A_206 = arith.constant 24 : i32
        %scan3A_207 = arith.addi %scan3A_205, %scan3A_206 : i32
        %scan3A_208 = arith.constant 1 : i32
        scf.for %scan3A_214 = %scan3A_205 to %scan3A_207 step %scan3A_208  : i32 {
          %mul3A_215 = arith.constant 1 : i32
          %mul3A_216 = arith.muli %scan3A_214, %mul3A_215 : i32
          %add3A_217 = arith.constant 0 : i32
          %add3A_218 = arith.addi %add3A_217, %mul3A_216 : i32
          %parallel_loop3A_219 = arith.constant 0 : i32
          %parallel_loop3A_220 = arith.constant 32 : i32
          %parallel_loop3A_221 = arith.constant 1 : i32
          scf.for %parallel_loop3A_222 = %parallel_loop3A_219 to %parallel_loop3A_220 step %parallel_loop3A_221  : i32 {
            %parallel_loop3A_223 = arith.constant 16 : i32
            %parallel_loop3A_224 = arith.muli %parallel_loop3A_222, %parallel_loop3A_223 : i32
            %parallel_loop3A_225 = arith.index_cast %add3A_218 : i32 to index
            %parallel_loop3A_226 = arith.index_cast %parallel_loop3A_224 : i32 to index
            %parallel_loop3A_227 = tpu.vector_load %arg11[%parallel_loop3A_225, %parallel_loop3A_226] {strides = array<i32>} : memref<24x512xf32, #tpu.memory_space<vmem>>, vector<16xf32>,
            tpu.vector_store %arg11[%parallel_loop3A_225, %parallel_loop3A_226], %broadcast_in_dim3A_124 {strides = array<i32>} : memref<24x512xf32, #tpu.memory_space<vmem>>, vector<16xf32>,
          } {sc.loop_unroll_factor = 4 : i64, sc.parallel_access}
        }
        %scan3A_209 = arith.constant 24 : i32
        %swap3A_210 = arith.constant 0 : i32
        %swap3A_211 = arith.constant 0 : i32
        %swap3A_212 = arith.index_cast %swap3A_211 : i32 to index
        %swap3A_213 = memref.load %arg15[%swap3A_212] : memref<2xi32, #tpu.memory_space<smem>>
        memref.store %swap3A_210, %arg15[%swap3A_212] : memref<2xi32, #tpu.memory_space<smem>>
      } else {
      }
      %scan3A_132 = arith.constant 0 : i32
      %scan3A_133 = arith.constant 8 : i32
      %scan3A_134 = arith.addi %scan3A_132, %scan3A_133 : i32
      %scan3A_135 = arith.constant 1 : i32
      scf.for %scan3A_205 = %scan3A_132 to %scan3A_134 step %scan3A_135  : i32 {
        %mul3A_206 = arith.constant 1 : i32
        %mul3A_207 = arith.muli %scan3A_205, %mul3A_206 : i32
        %add3A_208 = arith.constant 0 : i32
        %add3A_209 = arith.addi %add3A_208, %mul3A_207 : i32
        %add3A_210 = arith.addi %mul3A_96, %add3A_209 : i32
        %broadcast_in_dim3A_211 = vector.broadcast %add3A_210 : i32 to vector<16xi32>
        %convert_element_type3A_212 = arith.sitofp %broadcast_in_dim3A_211 : vector<16xi32> to vector<16xf32>
        %broadcast_in_dim3A_213 = arith.constant false
        %broadcast_in_dim3A_214 = vector.broadcast %broadcast_in_dim3A_213 : i1 to vector<16xi1>
        %parallel_loop3A_215 = arith.constant 0 : i32
        %parallel_loop3A_216 = arith.constant 32 : i32
        %parallel_loop3A_217 = arith.constant 1 : i32
        %parallel_loop3A_218 = scf.for %parallel_loop3A_223 = %parallel_loop3A_215 to %parallel_loop3A_216 step %parallel_loop3A_217 iter_args(%parallel_loop3A_224 = %broadcast_in_dim3A_214) -> (vector<16xi1>)  : i32 {
          %parallel_loop3A_225 = arith.constant 16 : i32
          %parallel_loop3A_226 = arith.muli %parallel_loop3A_223, %parallel_loop3A_225 : i32
          %parallel_loop3A_227 = arith.index_cast %add3A_209 : i32 to index
          %parallel_loop3A_228 = arith.index_cast %parallel_loop3A_226 : i32 to index
          %parallel_loop3A_229 = tpu.vector_load %arg10[%parallel_loop3A_227, %parallel_loop3A_228] {strides = array<i32>} : memref<8x512xf32, #tpu.memory_space<vmem>>, vector<16xf32>,
          %parallel_loop3A_230 = arith.constant 6.400000e+01 : f32
          %parallel_loop3A_231 = vector.broadcast %parallel_loop3A_230 : f32 to vector<16xf32>
          %parallel_loop3A_232 = arith.mulf %parallel_loop3A_229, %parallel_loop3A_231 : vector<16xf32>
          %parallel_loop3A_233 = arith.addf %convert_element_type3A_212, %parallel_loop3A_232 : vector<16xf32>
          %parallel_loop3A_234 = arith.constant 0.000000e+00 : f32
          %parallel_loop3A_235 = vector.broadcast %parallel_loop3A_234 : f32 to vector<16xf32>
          %parallel_loop3A_236 = arith.cmpf oge, %parallel_loop3A_233, %parallel_loop3A_235 : vector<16xf32>
          %parallel_loop3A_237 = arith.constant 2.000000e+00 : f32
          %parallel_loop3A_238 = vector.broadcast %parallel_loop3A_237 : f32 to vector<16xf32>
          %parallel_loop3A_239 = arith.cmpf olt, %parallel_loop3A_233, %parallel_loop3A_238 : vector<16xf32>
          %parallel_loop3A_240 = arith.andi %parallel_loop3A_236, %parallel_loop3A_239 : vector<16xi1>
          %parallel_loop3A_241 = arith.ori %parallel_loop3A_224, %parallel_loop3A_240 : vector<16xi1>
          scf.yield %parallel_loop3A_241 : vector<16xi1>
        } {sc.loop_unroll_factor = 8 : i64, sc.parallel_access}
        %all_reduce_population_count3A = tpu.all_reduce %parallel_loop3A_218 {dim = 0 : i64, kind = #tpu.reduction_kind<sum>} : vector<16xi1> -> vector<16xi32>
        %slice3A = vector.extract_strided_slice %all_reduce_population_count3A {offsets = [0], sizes = [1], strides = [1]} : vector<16xi32> to vector<1xi32>
        %squeeze3A = vector.extract %slice3A[0] : i32 from vector<1xi32>
        %gt3A = arith.constant 0 : i32
        %gt3A_219 = arith.cmpi sgt, %squeeze3A, %gt3A : i32
        %convert_element_type3A_220 = arith.extui %gt3A_219 : i1 to i32
        %cond3A_221 = arith.constant 0 : i32
        %cond3A_222 = arith.cmpi ne, %convert_element_type3A_220, %cond3A_221 : i32
        scf.if %cond3A_222 {
          %swap3A_223 = arith.constant 1 : i32
          %swap3A_224 = arith.constant 0 : i32
          %swap3A_225 = arith.index_cast %swap3A_224 : i32 to index
          %swap3A_226 = memref.load %arg15[%swap3A_225] : memref<2xi32, #tpu.memory_space<smem>>
          memref.store %swap3A_223, %arg15[%swap3A_225] : memref<2xi32, #tpu.memory_space<smem>>
          %parallel_loop3A_227 = arith.constant 0 : i32
          %parallel_loop3A_228 = arith.constant 32 : i32
          %parallel_loop3A_229 = arith.constant 1 : i32
          scf.for %parallel_loop3A_230 = %parallel_loop3A_227 to %parallel_loop3A_228 step %parallel_loop3A_229  : i32 {
            %parallel_loop3A_231 = arith.constant 16 : i32
            %parallel_loop3A_232 = arith.muli %parallel_loop3A_230, %parallel_loop3A_231 : i32
            %parallel_loop3A_233 = arith.index_cast %add3A_209 : i32 to index
            %parallel_loop3A_234 = arith.index_cast %parallel_loop3A_232 : i32 to index
            %parallel_loop3A_235 = tpu.vector_load %arg10[%parallel_loop3A_233, %parallel_loop3A_234] {strides = array<i32>} : memref<8x512xf32, #tpu.memory_space<vmem>>, vector<16xf32>,
            %parallel_loop3A_236 = arith.constant 6.400000e+01 : f32
            %parallel_loop3A_237 = vector.broadcast %parallel_loop3A_236 : f32 to vector<16xf32>
            %parallel_loop3A_238 = arith.mulf %parallel_loop3A_235, %parallel_loop3A_237 : vector<16xf32>
            %parallel_loop3A_239 = arith.addf %convert_element_type3A_212, %parallel_loop3A_238 : vector<16xf32>
            %parallel_loop3A_240 = arith.constant 0.000000e+00 : f32
            %parallel_loop3A_241 = vector.broadcast %parallel_loop3A_240 : f32 to vector<16xf32>
            %parallel_loop3A_242 = arith.cmpf oge, %parallel_loop3A_239, %parallel_loop3A_241 : vector<16xf32>
            %parallel_loop3A_243 = arith.constant 2.000000e+00 : f32
            %parallel_loop3A_244 = vector.broadcast %parallel_loop3A_243 : f32 to vector<16xf32>
            %parallel_loop3A_245 = arith.cmpf olt, %parallel_loop3A_239, %parallel_loop3A_244 : vector<16xf32>
            %parallel_loop3A_246 = arith.andi %parallel_loop3A_242, %parallel_loop3A_245 : vector<16xi1>
            %parallel_loop3A_247 = arith.index_cast %add3A_209 : i32 to index
            %parallel_loop3A_248 = arith.index_cast %parallel_loop3A_232 : i32 to index
            %parallel_loop3A_249 = tpu.vector_load %arg9[%parallel_loop3A_247, %parallel_loop3A_248] {strides = array<i32>} : memref<8x512xf32, #tpu.memory_space<vmem>>, vector<16xf32>,
            %parallel_loop3A_250 = vector.broadcast %parallel_loop3A_232 : i32 to vector<16xi32>
            %parallel_loop3A_251 = arith.addi %iota3A, %parallel_loop3A_250 : vector<16xi32>
            %parallel_loop3A_252 = arith.sitofp %parallel_loop3A_251 : vector<16xi32> to vector<16xf32>
            %parallel_loop3A_253 = arith.constant 6.400000e+01 : f32
            %parallel_loop3A_254 = vector.broadcast %parallel_loop3A_253 : f32 to vector<16xf32>
            %parallel_loop3A_255 = arith.mulf %parallel_loop3A_249, %parallel_loop3A_254 : vector<16xf32>
            %parallel_loop3A_256 = arith.addf %parallel_loop3A_252, %parallel_loop3A_255 : vector<16xf32>
            %parallel_loop3A_257 = arith.constant -1.000000e+00 : f32
            %parallel_loop3A_258 = arith.constant 5.120000e+02 : f32
            %parallel_loop3A_259 = vector.broadcast %parallel_loop3A_257 : f32 to vector<16xf32>
            %parallel_loop3A_260 = arith.maximumf %parallel_loop3A_259, %parallel_loop3A_256 : vector<16xf32>
            %parallel_loop3A_261 = vector.broadcast %parallel_loop3A_258 : f32 to vector<16xf32>
            %parallel_loop3A_262 = arith.minimumf %parallel_loop3A_261, %parallel_loop3A_260 : vector<16xf32>
            %parallel_loop3A_263 = arith.constant -1.000000e+00 : f32
            %parallel_loop3A_264 = arith.constant 3.000000e+00 : f32
            %parallel_loop3A_265 = vector.broadcast %parallel_loop3A_263 : f32 to vector<16xf32>
            %parallel_loop3A_266 = arith.maximumf %parallel_loop3A_265, %parallel_loop3A_239 : vector<16xf32>
            %parallel_loop3A_267 = vector.broadcast %parallel_loop3A_264 : f32 to vector<16xf32>
            %parallel_loop3A_268 = arith.minimumf %parallel_loop3A_267, %parallel_loop3A_266 : vector<16xf32>
            %parallel_loop3A_269 = arith.fptosi %parallel_loop3A_262 : vector<16xf32> to vector<16xi32>
            %parallel_loop3A_270 = arith.sitofp %parallel_loop3A_269 : vector<16xi32> to vector<16xf32>
            %parallel_loop3A_271 = arith.cmpf ogt, %parallel_loop3A_270, %parallel_loop3A_262 : vector<16xf32>
            %parallel_loop3A_272 = arith.constant 1.000000e+00 : f32
            %parallel_loop3A_273 = vector.broadcast %parallel_loop3A_272 : f32 to vector<16xf32>
            %parallel_loop3A_274 = arith.subf %parallel_loop3A_270, %parallel_loop3A_273 : vector<16xf32>
            %parallel_loop3A_275 = arith.select %parallel_loop3A_271, %parallel_loop3A_274, %parallel_loop3A_270 : vector<16xi1>, vector<16xf32>
            %parallel_loop3A_276 = arith.fptosi %parallel_loop3A_268 : vector<16xf32> to vector<16xi32>
            %parallel_loop3A_277 = arith.sitofp %parallel_loop3A_276 : vector<16xi32> to vector<16xf32>
            %parallel_loop3A_278 = arith.cmpf ogt, %parallel_loop3A_277, %parallel_loop3A_268 : vector<16xf32>
            %parallel_loop3A_279 = arith.constant 1.000000e+00 : f32
            %parallel_loop3A_280 = vector.broadcast %parallel_loop3A_279 : f32 to vector<16xf32>
            %parallel_loop3A_281 = arith.subf %parallel_loop3A_277, %parallel_loop3A_280 : vector<16xf32>
            %parallel_loop3A_282 = arith.select %parallel_loop3A_278, %parallel_loop3A_281, %parallel_loop3A_277 : vector<16xi1>, vector<16xf32>
            %parallel_loop3A_283 = arith.constant 0.000000e+00 : f32
            %parallel_loop3A_284 = arith.constant 5.110000e+02 : f32
            %parallel_loop3A_285 = vector.broadcast %parallel_loop3A_283 : f32 to vector<16xf32>
            %parallel_loop3A_286 = arith.maximumf %parallel_loop3A_285, %parallel_loop3A_275 : vector<16xf32>
            %parallel_loop3A_287 = vector.broadcast %parallel_loop3A_284 : f32 to vector<16xf32>
            %parallel_loop3A_288 = arith.minimumf %parallel_loop3A_287, %parallel_loop3A_286 : vector<16xf32>
            %parallel_loop3A_289 = arith.constant 1.000000e+00 : f32
            %parallel_loop3A_290 = vector.broadcast %parallel_loop3A_289 : f32 to vector<16xf32>
            %parallel_loop3A_291 = arith.addf %parallel_loop3A_275, %parallel_loop3A_290 : vector<16xf32>
            %parallel_loop3A_292 = arith.constant 0.000000e+00 : f32
            %parallel_loop3A_293 = arith.constant 5.110000e+02 : f32
            %parallel_loop3A_294 = vector.broadcast %parallel_loop3A_292 : f32 to vector<16xf32>
            %parallel_loop3A_295 = arith.maximumf %parallel_loop3A_294, %parallel_loop3A_291 : vector<16xf32>
            %parallel_loop3A_296 = vector.broadcast %parallel_loop3A_293 : f32 to vector<16xf32>
            %parallel_loop3A_297 = arith.minimumf %parallel_loop3A_296, %parallel_loop3A_295 : vector<16xf32>
            %parallel_loop3A_298 = arith.constant 0.000000e+00 : f32
            %parallel_loop3A_299 = arith.constant 2.000000e+00 : f32
            %parallel_loop3A_300 = vector.broadcast %parallel_loop3A_298 : f32 to vector<16xf32>
            %parallel_loop3A_301 = arith.maximumf %parallel_loop3A_300, %parallel_loop3A_282 : vector<16xf32>
            %parallel_loop3A_302 = vector.broadcast %parallel_loop3A_299 : f32 to vector<16xf32>
            %parallel_loop3A_303 = arith.minimumf %parallel_loop3A_302, %parallel_loop3A_301 : vector<16xf32>
            %parallel_loop3A_304 = arith.constant 1.000000e+00 : f32
            %parallel_loop3A_305 = vector.broadcast %parallel_loop3A_304 : f32 to vector<16xf32>
            %parallel_loop3A_306 = arith.addf %parallel_loop3A_282, %parallel_loop3A_305 : vector<16xf32>
            %parallel_loop3A_307 = arith.constant 0.000000e+00 : f32
            %parallel_loop3A_308 = arith.constant 2.000000e+00 : f32
            %parallel_loop3A_309 = vector.broadcast %parallel_loop3A_307 : f32 to vector<16xf32>
            %parallel_loop3A_310 = arith.maximumf %parallel_loop3A_309, %parallel_loop3A_306 : vector<16xf32>
            %parallel_loop3A_311 = vector.broadcast %parallel_loop3A_308 : f32 to vector<16xf32>
            %parallel_loop3A_312 = arith.minimumf %parallel_loop3A_311, %parallel_loop3A_310 : vector<16xf32>
            %parallel_loop3A_313 = arith.subf %parallel_loop3A_297, %parallel_loop3A_256 : vector<16xf32>
            %parallel_loop3A_314 = arith.subf %parallel_loop3A_256, %parallel_loop3A_288 : vector<16xf32>
            %parallel_loop3A_315 = arith.subf %parallel_loop3A_312, %parallel_loop3A_239 : vector<16xf32>
            %parallel_loop3A_316 = arith.subf %parallel_loop3A_239, %parallel_loop3A_303 : vector<16xf32>
            %parallel_loop3A_317 = arith.fptosi %parallel_loop3A_288 : vector<16xf32> to vector<16xi32>
            %parallel_loop3A_318 = vector.broadcast %mul3A_34 : i32 to vector<16xi32>
            %parallel_loop3A_319 = arith.addi %parallel_loop3A_317, %parallel_loop3A_318 : vector<16xi32>
            %parallel_loop3A_320 = arith.fptosi %parallel_loop3A_297 : vector<16xf32> to vector<16xi32>
            %parallel_loop3A_321 = vector.broadcast %mul3A_34 : i32 to vector<16xi32>
            %parallel_loop3A_322 = arith.addi %parallel_loop3A_320, %parallel_loop3A_321 : vector<16xi32>
            %parallel_loop3A_323 = arith.fptosi %parallel_loop3A_303 : vector<16xf32> to vector<16xi32>
            %parallel_loop3A_324 = arith.constant 4096 : i32
            %parallel_loop3A_325 = vector.broadcast %parallel_loop3A_324 : i32 to vector<16xi32>
            %parallel_loop3A_326 = arith.muli %parallel_loop3A_323, %parallel_loop3A_325 : vector<16xi32>
            %parallel_loop3A_327 = arith.fptosi %parallel_loop3A_312 : vector<16xf32> to vector<16xi32>
            %parallel_loop3A_328 = arith.constant 4096 : i32
            %parallel_loop3A_329 = vector.broadcast %parallel_loop3A_328 : i32 to vector<16xi32>
            %parallel_loop3A_330 = arith.muli %parallel_loop3A_327, %parallel_loop3A_329 : vector<16xi32>
            %parallel_loop3A_331 = arith.addi %parallel_loop3A_326, %parallel_loop3A_319 : vector<16xi32>
            %parallel_loop3A_332 = arith.addi %parallel_loop3A_330, %parallel_loop3A_319 : vector<16xi32>
            %parallel_loop3A_333 = arith.addi %parallel_loop3A_326, %parallel_loop3A_322 : vector<16xi32>
            %parallel_loop3A_334 = arith.addi %parallel_loop3A_330, %parallel_loop3A_322 : vector<16xi32>
            %parallel_loop3A_335 = arith.constant 512 : i32
            %parallel_loop3A_336 = arith.muli %add3A_209, %parallel_loop3A_335 : i32
            %parallel_loop3A_337 = arith.addi %parallel_loop3A_336, %parallel_loop3A_232 : i32
            %parallel_loop3A_338 = arith.constant 3 : i32
            %parallel_loop3A_339 = arith.muli %parallel_loop3A_337, %parallel_loop3A_338 : i32
            %parallel_loop3A_340 = tpu.vector_load_idx %arg6[%parallel_loop3A_331] masked %parallel_loop3A_246 : memref<12288xf32, #tpu.memory_space<vmem>>[vector<16xi32>], vector<16xf32>, vector<16xi1>
            %parallel_loop3A_341 = tpu.vector_load_idx %arg6[%parallel_loop3A_332] masked %parallel_loop3A_246 : memref<12288xf32, #tpu.memory_space<vmem>>[vector<16xi32>], vector<16xf32>, vector<16xi1>
            %parallel_loop3A_342 = tpu.vector_load_idx %arg6[%parallel_loop3A_333] masked %parallel_loop3A_246 : memref<12288xf32, #tpu.memory_space<vmem>>[vector<16xi32>], vector<16xf32>, vector<16xi1>
            %parallel_loop3A_343 = tpu.vector_load_idx %arg6[%parallel_loop3A_334] masked %parallel_loop3A_246 : memref<12288xf32, #tpu.memory_space<vmem>>[vector<16xi32>], vector<16xf32>, vector<16xi1>
            %parallel_loop3A_344 = arith.mulf %parallel_loop3A_313, %parallel_loop3A_340 : vector<16xf32>
            %parallel_loop3A_345 = arith.mulf %parallel_loop3A_314, %parallel_loop3A_342 : vector<16xf32>
            %parallel_loop3A_346 = arith.addf %parallel_loop3A_344, %parallel_loop3A_345 : vector<16xf32>
            %parallel_loop3A_347 = arith.mulf %parallel_loop3A_313, %parallel_loop3A_341 : vector<16xf32>
            %parallel_loop3A_348 = arith.mulf %parallel_loop3A_314, %parallel_loop3A_343 : vector<16xf32>
            %parallel_loop3A_349 = arith.addf %parallel_loop3A_347, %parallel_loop3A_348 : vector<16xf32>
            %parallel_loop3A_350 = arith.mulf %parallel_loop3A_315, %parallel_loop3A_346 : vector<16xf32>
            %parallel_loop3A_351 = arith.mulf %parallel_loop3A_316, %parallel_loop3A_349 : vector<16xf32>
            %parallel_loop3A_352 = arith.addf %parallel_loop3A_350, %parallel_loop3A_351 : vector<16xf32>
            %parallel_loop3A_353 = vector.broadcast %parallel_loop3A_339 : i32 to vector<16xi32>
            %parallel_loop3A_354 = arith.addi %parallel_loop3A_353, %mul3A_37 : vector<16xi32>
            %parallel_loop3A_355 = arith.constant 0 : i32
            %parallel_loop3A_356 = vector.broadcast %parallel_loop3A_355 : i32 to vector<16xi32>
            %parallel_loop3A_357 = arith.addi %parallel_loop3A_354, %parallel_loop3A_356 : vector<16xi32>
            %parallel_loop3A_358 = arith.constant 9 : i32
            %parallel_loop3A_359 = vector.broadcast %parallel_loop3A_358 : i32 to vector<16xi32>
            %parallel_loop3A_360 = arith.shrsi %parallel_loop3A_357, %parallel_loop3A_359 : vector<16xi32>
            %parallel_loop3A_361 = arith.constant 511 : i32
            %parallel_loop3A_362 = vector.broadcast %parallel_loop3A_361 : i32 to vector<16xi32>
            %parallel_loop3A_363 = arith.andi %parallel_loop3A_357, %parallel_loop3A_362 : vector<16xi32>
            tpu.vector_store_idx %arg11[%parallel_loop3A_360, %parallel_loop3A_363], %parallel_loop3A_352 masked %parallel_loop3A_246 : memref<24x512xf32, #tpu.memory_space<vmem>>[vector<16xi32>, vector<16xi32>], vector<16xf32>, vector<16xi1>
            %parallel_loop3A_364 = tpu.vector_load_idx %arg7[%parallel_loop3A_331] masked %parallel_loop3A_246 : memref<12288xf32, #tpu.memory_space<vmem>>[vector<16xi32>], vector<16xf32>, vector<16xi1>
            %parallel_loop3A_365 = tpu.vector_load_idx %arg7[%parallel_loop3A_332] masked %parallel_loop3A_246 : memref<12288xf32, #tpu.memory_space<vmem>>[vector<16xi32>], vector<16xf32>, vector<16xi1>
            %parallel_loop3A_366 = tpu.vector_load_idx %arg7[%parallel_loop3A_333] masked %parallel_loop3A_246 : memref<12288xf32, #tpu.memory_space<vmem>>[vector<16xi32>], vector<16xf32>, vector<16xi1>
            %parallel_loop3A_367 = tpu.vector_load_idx %arg7[%parallel_loop3A_334] masked %parallel_loop3A_246 : memref<12288xf32, #tpu.memory_space<vmem>>[vector<16xi32>], vector<16xf32>, vector<16xi1>
            %parallel_loop3A_368 = arith.mulf %parallel_loop3A_313, %parallel_loop3A_364 : vector<16xf32>
            %parallel_loop3A_369 = arith.mulf %parallel_loop3A_314, %parallel_loop3A_366 : vector<16xf32>
            %parallel_loop3A_370 = arith.addf %parallel_loop3A_368, %parallel_loop3A_369 : vector<16xf32>
            %parallel_loop3A_371 = arith.mulf %parallel_loop3A_313, %parallel_loop3A_365 : vector<16xf32>
            %parallel_loop3A_372 = arith.mulf %parallel_loop3A_314, %parallel_loop3A_367 : vector<16xf32>
            %parallel_loop3A_373 = arith.addf %parallel_loop3A_371, %parallel_loop3A_372 : vector<16xf32>
            %parallel_loop3A_374 = arith.mulf %parallel_loop3A_315, %parallel_loop3A_370 : vector<16xf32>
            %parallel_loop3A_375 = arith.mulf %parallel_loop3A_316, %parallel_loop3A_373 : vector<16xf32>
            %parallel_loop3A_376 = arith.addf %parallel_loop3A_374, %parallel_loop3A_375 : vector<16xf32>
            %parallel_loop3A_377 = vector.broadcast %parallel_loop3A_339 : i32 to vector<16xi32>
            %parallel_loop3A_378 = arith.addi %parallel_loop3A_377, %mul3A_37 : vector<16xi32>
            %parallel_loop3A_379 = arith.constant 1 : i32
            %parallel_loop3A_380 = vector.broadcast %parallel_loop3A_379 : i32 to vector<16xi32>
            %parallel_loop3A_381 = arith.addi %parallel_loop3A_378, %parallel_loop3A_380 : vector<16xi32>
            %parallel_loop3A_382 = arith.constant 9 : i32
            %parallel_loop3A_383 = vector.broadcast %parallel_loop3A_382 : i32 to vector<16xi32>
            %parallel_loop3A_384 = arith.shrsi %parallel_loop3A_381, %parallel_loop3A_383 : vector<16xi32>
            %parallel_loop3A_385 = arith.constant 511 : i32
            %parallel_loop3A_386 = vector.broadcast %parallel_loop3A_385 : i32 to vector<16xi32>
            %parallel_loop3A_387 = arith.andi %parallel_loop3A_381, %parallel_loop3A_386 : vector<16xi32>
            tpu.vector_store_idx %arg11[%parallel_loop3A_384, %parallel_loop3A_387], %parallel_loop3A_376 masked %parallel_loop3A_246 : memref<24x512xf32, #tpu.memory_space<vmem>>[vector<16xi32>, vector<16xi32>], vector<16xf32>, vector<16xi1>
            %parallel_loop3A_388 = tpu.vector_load_idx %arg8[%parallel_loop3A_331] masked %parallel_loop3A_246 : memref<12288xf32, #tpu.memory_space<vmem>>[vector<16xi32>], vector<16xf32>, vector<16xi1>
            %parallel_loop3A_389 = tpu.vector_load_idx %arg8[%parallel_loop3A_332] masked %parallel_loop3A_246 : memref<12288xf32, #tpu.memory_space<vmem>>[vector<16xi32>], vector<16xf32>, vector<16xi1>
            %parallel_loop3A_390 = tpu.vector_load_idx %arg8[%parallel_loop3A_333] masked %parallel_loop3A_246 : memref<12288xf32, #tpu.memory_space<vmem>>[vector<16xi32>], vector<16xf32>, vector<16xi1>
            %parallel_loop3A_391 = tpu.vector_load_idx %arg8[%parallel_loop3A_334] masked %parallel_loop3A_246 : memref<12288xf32, #tpu.memory_space<vmem>>[vector<16xi32>], vector<16xf32>, vector<16xi1>
            %parallel_loop3A_392 = arith.mulf %parallel_loop3A_313, %parallel_loop3A_388 : vector<16xf32>
            %parallel_loop3A_393 = arith.mulf %parallel_loop3A_314, %parallel_loop3A_390 : vector<16xf32>
            %parallel_loop3A_394 = arith.addf %parallel_loop3A_392, %parallel_loop3A_393 : vector<16xf32>
            %parallel_loop3A_395 = arith.mulf %parallel_loop3A_313, %parallel_loop3A_389 : vector<16xf32>
            %parallel_loop3A_396 = arith.mulf %parallel_loop3A_314, %parallel_loop3A_391 : vector<16xf32>
            %parallel_loop3A_397 = arith.addf %parallel_loop3A_395, %parallel_loop3A_396 : vector<16xf32>
            %parallel_loop3A_398 = arith.mulf %parallel_loop3A_315, %parallel_loop3A_394 : vector<16xf32>
            %parallel_loop3A_399 = arith.mulf %parallel_loop3A_316, %parallel_loop3A_397 : vector<16xf32>
            %parallel_loop3A_400 = arith.addf %parallel_loop3A_398, %parallel_loop3A_399 : vector<16xf32>
            %parallel_loop3A_401 = vector.broadcast %parallel_loop3A_339 : i32 to vector<16xi32>
            %parallel_loop3A_402 = arith.addi %parallel_loop3A_401, %mul3A_37 : vector<16xi32>
            %parallel_loop3A_403 = arith.constant 2 : i32
            %parallel_loop3A_404 = vector.broadcast %parallel_loop3A_403 : i32 to vector<16xi32>
            %parallel_loop3A_405 = arith.addi %parallel_loop3A_402, %parallel_loop3A_404 : vector<16xi32>
            %parallel_loop3A_406 = arith.constant 9 : i32
            %parallel_loop3A_407 = vector.broadcast %parallel_loop3A_406 : i32 to vector<16xi32>
            %parallel_loop3A_408 = arith.shrsi %parallel_loop3A_405, %parallel_loop3A_407 : vector<16xi32>
            %parallel_loop3A_409 = arith.constant 511 : i32
            %parallel_loop3A_410 = vector.broadcast %parallel_loop3A_409 : i32 to vector<16xi32>
            %parallel_loop3A_411 = arith.andi %parallel_loop3A_405, %parallel_loop3A_410 : vector<16xi32>
            tpu.vector_store_idx %arg11[%parallel_loop3A_408, %parallel_loop3A_411], %parallel_loop3A_400 masked %parallel_loop3A_246 : memref<24x512xf32, #tpu.memory_space<vmem>>[vector<16xi32>, vector<16xi32>], vector<16xf32>, vector<16xi1>
          } {sc.loop_unroll_factor = 1 : i64, sc.parallel_access}
        } else {
        }
      }
      %scan3A_136 = arith.constant 8 : i32
      %mul3A_137 = arith.constant 3 : i32
      %mul3A_138 = arith.muli %mul3A_137, %mul3A_96 : i32
      %dma_start3A_139 = arith.constant 0 : i32
      %dma_start3A_140 = tpu.memref_slice %arg4[%select_n3A, %mul3A_138, %dma_start3A_139] : memref<8x1536x512xf32, #tpu.memory_space<hbm>> -> memref<1x24x512xf32, #tpu.memory_space<hbm>>
      %dma_start3A_141 = tpu.memref_squeeze %dma_start3A_140 : memref<1x24x512xf32, #tpu.memory_space<hbm>> -> memref<24x512xf32, #tpu.memory_space<hbm>>
      %dma_start3A_142 = arith.constant 0 : i32
      %dma_start3A_143 = tpu.memref_slice %arg4[%select_n3A, %mul3A_138, %dma_start3A_142] : memref<8x1536x512xf32, #tpu.memory_space<hbm>> -> memref<1x24x512xf32, #tpu.memory_space<hbm>>
      %dma_start3A_144 = tpu.memref_squeeze %dma_start3A_143 : memref<1x24x512xf32, #tpu.memory_space<hbm>> -> memref<24x512xf32, #tpu.memory_space<hbm>>
      tpu.enqueue_dma source(%arg11 : memref<24x512xf32, #tpu.memory_space<vmem>>) target(%dma_start3A_144 : memref<24x512xf32, #tpu.memory_space<hbm>>) target_semaphore(%arg17 : memref<!tpu.dma_semaphore, #tpu.memory_space<semaphore_mem>>)
      %add3A_145 = arith.constant 1 : i32
      %add3A_146 = arith.addi %add3A_89, %add3A_145 : i32
      %mul3A_147 = arith.constant 4 : i32
      %mul3A_148 = arith.muli %mul3A_147, %add3A_146 : i32
      %add3A_149 = arith.addi %select_n3A_30, %mul3A_148 : i32
      %mul3A_150 = arith.constant 8 : i32
      %mul3A_151 = arith.muli %add3A_149, %mul3A_150 : i32
      %add3A_152 = arith.constant 1 : i32
      %add3A_153 = arith.addi %add3A_146, %add3A_152 : i32
      %lt3A_154 = arith.constant 16 : i32
      %lt3A_155 = arith.cmpi slt, %add3A_153, %lt3A_154 : i32
      %convert_element_type3A_156 = arith.extui %lt3A_155 : i1 to i32
      %cond3A_157 = arith.constant 0 : i32
      %cond3A_158 = arith.cmpi ne, %convert_element_type3A_156, %cond3A_157 : i32
      scf.if %cond3A_158 {
        %add3A_205 = arith.constant 1 : i32
        %add3A_206 = arith.addi %add3A_146, %add3A_205 : i32
        %mul3A_207 = arith.constant 4 : i32
        %mul3A_208 = arith.muli %mul3A_207, %add3A_206 : i32
        %add3A_209 = arith.addi %select_n3A_30, %mul3A_208 : i32
        %mul3A_210 = arith.constant 8 : i32
        %mul3A_211 = arith.muli %add3A_209, %mul3A_210 : i32
        %dma_start3A_212 = arith.constant 0 : i32
        %dma_start3A_213 = arith.constant 0 : i32
        %dma_start3A_214 = tpu.memref_slice %arg2[%select_n3A, %dma_start3A_212, %mul3A_211, %dma_start3A_213] : memref<8x2x512x512xf32, #tpu.memory_space<hbm>> -> memref<1x1x8x512xf32, #tpu.memory_space<hbm>>
        %dma_start3A_215 = tpu.memref_squeeze %dma_start3A_214 : memref<1x1x8x512xf32, #tpu.memory_space<hbm>> -> memref<8x512xf32, #tpu.memory_space<hbm>>
        %dma_start3A_216 = arith.constant 0 : i32
        %dma_start3A_217 = tpu.memref_slice %arg2[%select_n3A, %dma_start3A_212, %mul3A_211, %dma_start3A_216] : memref<8x2x512x512xf32, #tpu.memory_space<hbm>> -> memref<1x1x8x512xf32, #tpu.memory_space<hbm>>
        %dma_start3A_218 = tpu.memref_squeeze %dma_start3A_217 : memref<1x1x8x512xf32, #tpu.memory_space<hbm>> -> memref<8x512xf32, #tpu.memory_space<hbm>>
        tpu.enqueue_dma source(%dma_start3A_218 : memref<8x512xf32, #tpu.memory_space<hbm>>) target(%arg9 : memref<8x512xf32, #tpu.memory_space<vmem>>) target_semaphore(%arg16 : memref<!tpu.dma_semaphore, #tpu.memory_space<semaphore_mem>>)
        %dma_start3A_219 = arith.constant 1 : i32
        %dma_start3A_220 = arith.constant 0 : i32
        %dma_start3A_221 = tpu.memref_slice %arg2[%select_n3A, %dma_start3A_219, %mul3A_211, %dma_start3A_220] : memref<8x2x512x512xf32, #tpu.memory_space<hbm>> -> memref<1x1x8x512xf32, #tpu.memory_space<hbm>>
        %dma_start3A_222 = tpu.memref_squeeze %dma_start3A_221 : memref<1x1x8x512xf32, #tpu.memory_space<hbm>> -> memref<8x512xf32, #tpu.memory_space<hbm>>
        %dma_start3A_223 = arith.constant 0 : i32
        %dma_start3A_224 = tpu.memref_slice %arg2[%select_n3A, %dma_start3A_219, %mul3A_211, %dma_start3A_223] : memref<8x2x512x512xf32, #tpu.memory_space<hbm>> -> memref<1x1x8x512xf32, #tpu.memory_space<hbm>>
        %dma_start3A_225 = tpu.memref_squeeze %dma_start3A_224 : memref<1x1x8x512xf32, #tpu.memory_space<hbm>> -> memref<8x512xf32, #tpu.memory_space<hbm>>
        tpu.enqueue_dma source(%dma_start3A_225 : memref<8x512xf32, #tpu.memory_space<hbm>>) target(%arg10 : memref<8x512xf32, #tpu.memory_space<vmem>>) target_semaphore(%arg16 : memref<!tpu.dma_semaphore, #tpu.memory_space<semaphore_mem>>)
      } else {
      }
      %dma_wait3A_159 = arith.constant 0 : i32
      %dma_wait3A_160 = arith.constant 0 : i32
      %dma_wait3A_161 = arith.constant 0 : i32
      %dma_wait3A_162 = tpu.memref_slice %arg2[%select_n3A, %dma_wait3A_159, %dma_wait3A_160, %dma_wait3A_161] : memref<8x2x512x512xf32, #tpu.memory_space<hbm>> -> memref<1x1x8x512xf32, #tpu.memory_space<hbm>>
      %dma_wait3A_163 = tpu.memref_squeeze %dma_wait3A_162 : memref<1x1x8x512xf32, #tpu.memory_space<hbm>> -> memref<8x512xf32, #tpu.memory_space<hbm>>
      %dma_wait3A_164 = arith.constant 0 : i32
      %dma_wait3A_165 = arith.constant 0 : i32
      %dma_wait3A_166 = tpu.memref_slice %arg2[%select_n3A, %dma_wait3A_159, %dma_wait3A_164, %dma_wait3A_165] : memref<8x2x512x512xf32, #tpu.memory_space<hbm>> -> memref<1x1x8x512xf32, #tpu.memory_space<hbm>>
      %dma_wait3A_167 = tpu.memref_squeeze %dma_wait3A_166 : memref<1x1x8x512xf32, #tpu.memory_space<hbm>> -> memref<8x512xf32, #tpu.memory_space<hbm>>
      tpu.wait_dma2 semaphore(%arg18 : memref<!tpu.dma_semaphore, #tpu.memory_space<semaphore_mem>>) src(%dma_wait3A_167 : memref<8x512xf32, #tpu.memory_space<hbm>>) dst(%arg12 : memref<8x512xf32, #tpu.memory_space<vmem>>)
      %dma_wait3A_168 = arith.constant 1 : i32
      %dma_wait3A_169 = arith.constant 0 : i32
      %dma_wait3A_170 = arith.constant 0 : i32
      %dma_wait3A_171 = tpu.memref_slice %arg2[%select_n3A, %dma_wait3A_168, %dma_wait3A_169, %dma_wait3A_170] : memref<8x2x512x512xf32, #tpu.memory_space<hbm>> -> memref<1x1x8x512xf32, #tpu.memory_space<hbm>>
      %dma_wait3A_172 = tpu.memref_squeeze %dma_wait3A_171 : memref<1x1x8x512xf32, #tpu.memory_space<hbm>> -> memref<8x512xf32, #tpu.memory_space<hbm>>
      %dma_wait3A_173 = arith.constant 0 : i32
      %dma_wait3A_174 = arith.constant 0 : i32
      %dma_wait3A_175 = tpu.memref_slice %arg2[%select_n3A, %dma_wait3A_168, %dma_wait3A_173, %dma_wait3A_174] : memref<8x2x512x512xf32, #tpu.memory_space<hbm>> -> memref<1x1x8x512xf32, #tpu.memory_space<hbm>>
      %dma_wait3A_176 = tpu.memref_squeeze %dma_wait3A_175 : memref<1x1x8x512xf32, #tpu.memory_space<hbm>> -> memref<8x512xf32, #tpu.memory_space<hbm>>
      tpu.wait_dma2 semaphore(%arg18 : memref<!tpu.dma_semaphore, #tpu.memory_space<semaphore_mem>>) src(%dma_wait3A_176 : memref<8x512xf32, #tpu.memory_space<hbm>>) dst(%arg13 : memref<8x512xf32, #tpu.memory_space<vmem>>)
      %ge3A_177 = arith.constant 2 : i32
      %ge3A_178 = arith.cmpi sge, %add3A_146, %ge3A_177 : i32
      %convert_element_type3A_179 = arith.extui %ge3A_178 : i1 to i32
      %cond3A_180 = arith.constant 0 : i32
      %cond3A_181 = arith.cmpi ne, %convert_element_type3A_179, %cond3A_180 : i32
      scf.if %cond3A_181 {
        %dma_wait3A_205 = arith.constant 0 : i32
        %dma_wait3A_206 = arith.constant 0 : i32
        %dma_wait3A_207 = arith.constant 0 : i32
        %dma_wait3A_208 = tpu.memref_slice %arg4[%dma_wait3A_205, %dma_wait3A_206, %dma_wait3A_207] : memref<8x1536x512xf32, #tpu.memory_space<hbm>> -> memref<1x24x512xf32, #tpu.memory_space<hbm>>
        %dma_wait3A_209 = tpu.memref_squeeze %dma_wait3A_208 : memref<1x24x512xf32, #tpu.memory_space<hbm>> -> memref<24x512xf32, #tpu.memory_space<hbm>>
        %dma_wait3A_210 = arith.constant 0 : i32
        %dma_wait3A_211 = arith.constant 0 : i32
        %dma_wait3A_212 = tpu.memref_slice %arg4[%dma_wait3A_205, %dma_wait3A_210, %dma_wait3A_211] : memref<8x1536x512xf32, #tpu.memory_space<hbm>> -> memref<1x24x512xf32, #tpu.memory_space<hbm>>
        %dma_wait3A_213 = tpu.memref_squeeze %dma_wait3A_212 : memref<1x24x512xf32, #tpu.memory_space<hbm>> -> memref<24x512xf32, #tpu.memory_space<hbm>>
        tpu.wait_dma2 semaphore(%arg19 : memref<!tpu.dma_semaphore, #tpu.memory_space<semaphore_mem>>) src(%arg14 : memref<24x512xf32, #tpu.memory_space<vmem>>) dst(%dma_wait3A_213 : memref<24x512xf32, #tpu.memory_space<hbm>>)
      } else {
      }
      %broadcast_in_dim3A_182 = arith.constant 0.000000e+00 : f32
      %broadcast_in_dim3A_183 = vector.broadcast %broadcast_in_dim3A_182 : f32 to vector<16xf32>
      %get3A_184 = arith.constant 1 : i32
      %get3A_185 = arith.index_cast %get3A_184 : i32 to index
      %get3A_186 = memref.load %arg15[%get3A_185] : memref<2xi32, #tpu.memory_space<smem>>
      %ne3A_187 = arith.constant 0 : i32
      %ne3A_188 = arith.cmpi ne, %get3A_186, %ne3A_187 : i32
      %convert_element_type3A_189 = arith.extui %ne3A_188 : i1 to i32
      %cond3A_190 = arith.constant 0 : i32
      %cond3A_191 = arith.cmpi ne, %convert_element_type3A_189, %cond3A_190 : i32
      scf.if %cond3A_191 {
        %scan3A_205 = arith.constant 0 : i32
        %scan3A_206 = arith.constant 24 : i32
        %scan3A_207 = arith.addi %scan3A_205, %scan3A_206 : i32
        %scan3A_208 = arith.constant 1 : i32
        scf.for %scan3A_214 = %scan3A_205 to %scan3A_207 step %scan3A_208  : i32 {
          %mul3A_215 = arith.constant 1 : i32
          %mul3A_216 = arith.muli %scan3A_214, %mul3A_215 : i32
          %add3A_217 = arith.constant 0 : i32
          %add3A_218 = arith.addi %add3A_217, %mul3A_216 : i32
          %parallel_loop3A_219 = arith.constant 0 : i32
          %parallel_loop3A_220 = arith.constant 32 : i32
          %parallel_loop3A_221 = arith.constant 1 : i32
          scf.for %parallel_loop3A_222 = %parallel_loop3A_219 to %parallel_loop3A_220 step %parallel_loop3A_221  : i32 {
            %parallel_loop3A_223 = arith.constant 16 : i32
            %parallel_loop3A_224 = arith.muli %parallel_loop3A_222, %parallel_loop3A_223 : i32
            %parallel_loop3A_225 = arith.index_cast %add3A_218 : i32 to index
            %parallel_loop3A_226 = arith.index_cast %parallel_loop3A_224 : i32 to index
            %parallel_loop3A_227 = tpu.vector_load %arg14[%parallel_loop3A_225, %parallel_loop3A_226] {strides = array<i32>} : memref<24x512xf32, #tpu.memory_space<vmem>>, vector<16xf32>,
            tpu.vector_store %arg14[%parallel_loop3A_225, %parallel_loop3A_226], %broadcast_in_dim3A_183 {strides = array<i32>} : memref<24x512xf32, #tpu.memory_space<vmem>>, vector<16xf32>,
          } {sc.loop_unroll_factor = 4 : i64, sc.parallel_access}
        }
        %scan3A_209 = arith.constant 24 : i32
        %swap3A_210 = arith.constant 0 : i32
        %swap3A_211 = arith.constant 1 : i32
        %swap3A_212 = arith.index_cast %swap3A_211 : i32 to index
        %swap3A_213 = memref.load %arg15[%swap3A_212] : memref<2xi32, #tpu.memory_space<smem>>
        memref.store %swap3A_210, %arg15[%swap3A_212] : memref<2xi32, #tpu.memory_space<smem>>
      } else {
      }
      %scan3A_192 = arith.constant 0 : i32
      %scan3A_193 = arith.constant 8 : i32
      %scan3A_194 = arith.addi %scan3A_192, %scan3A_193 : i32
      %scan3A_195 = arith.constant 1 : i32
      scf.for %scan3A_205 = %scan3A_192 to %scan3A_194 step %scan3A_195  : i32 {
        %mul3A_206 = arith.constant 1 : i32
        %mul3A_207 = arith.muli %scan3A_205, %mul3A_206 : i32
        %add3A_208 = arith.constant 0 : i32
        %add3A_209 = arith.addi %add3A_208, %mul3A_207 : i32
        %add3A_210 = arith.addi %mul3A_151, %add3A_209 : i32
        %broadcast_in_dim3A_211 = vector.broadcast %add3A_210 : i32 to vector<16xi32>
        %convert_element_type3A_212 = arith.sitofp %broadcast_in_dim3A_211 : vector<16xi32> to vector<16xf32>
        %broadcast_in_dim3A_213 = arith.constant false
        %broadcast_in_dim3A_214 = vector.broadcast %broadcast_in_dim3A_213 : i1 to vector<16xi1>
        %parallel_loop3A_215 = arith.constant 0 : i32
        %parallel_loop3A_216 = arith.constant 32 : i32
        %parallel_loop3A_217 = arith.constant 1 : i32
        %parallel_loop3A_218 = scf.for %parallel_loop3A_223 = %parallel_loop3A_215 to %parallel_loop3A_216 step %parallel_loop3A_217 iter_args(%parallel_loop3A_224 = %broadcast_in_dim3A_214) -> (vector<16xi1>)  : i32 {
          %parallel_loop3A_225 = arith.constant 16 : i32
          %parallel_loop3A_226 = arith.muli %parallel_loop3A_223, %parallel_loop3A_225 : i32
          %parallel_loop3A_227 = arith.index_cast %add3A_209 : i32 to index
          %parallel_loop3A_228 = arith.index_cast %parallel_loop3A_226 : i32 to index
          %parallel_loop3A_229 = tpu.vector_load %arg13[%parallel_loop3A_227, %parallel_loop3A_228] {strides = array<i32>} : memref<8x512xf32, #tpu.memory_space<vmem>>, vector<16xf32>,
          %parallel_loop3A_230 = arith.constant 6.400000e+01 : f32
          %parallel_loop3A_231 = vector.broadcast %parallel_loop3A_230 : f32 to vector<16xf32>
          %parallel_loop3A_232 = arith.mulf %parallel_loop3A_229, %parallel_loop3A_231 : vector<16xf32>
          %parallel_loop3A_233 = arith.addf %convert_element_type3A_212, %parallel_loop3A_232 : vector<16xf32>
          %parallel_loop3A_234 = arith.constant 0.000000e+00 : f32
          %parallel_loop3A_235 = vector.broadcast %parallel_loop3A_234 : f32 to vector<16xf32>
          %parallel_loop3A_236 = arith.cmpf oge, %parallel_loop3A_233, %parallel_loop3A_235 : vector<16xf32>
          %parallel_loop3A_237 = arith.constant 2.000000e+00 : f32
          %parallel_loop3A_238 = vector.broadcast %parallel_loop3A_237 : f32 to vector<16xf32>
          %parallel_loop3A_239 = arith.cmpf olt, %parallel_loop3A_233, %parallel_loop3A_238 : vector<16xf32>
          %parallel_loop3A_240 = arith.andi %parallel_loop3A_236, %parallel_loop3A_239 : vector<16xi1>
          %parallel_loop3A_241 = arith.ori %parallel_loop3A_224, %parallel_loop3A_240 : vector<16xi1>
          scf.yield %parallel_loop3A_241 : vector<16xi1>
        } {sc.loop_unroll_factor = 8 : i64, sc.parallel_access}
        %all_reduce_population_count3A = tpu.all_reduce %parallel_loop3A_218 {dim = 0 : i64, kind = #tpu.reduction_kind<sum>} : vector<16xi1> -> vector<16xi32>
        %slice3A = vector.extract_strided_slice %all_reduce_population_count3A {offsets = [0], sizes = [1], strides = [1]} : vector<16xi32> to vector<1xi32>
        %squeeze3A = vector.extract %slice3A[0] : i32 from vector<1xi32>
        %gt3A = arith.constant 0 : i32
        %gt3A_219 = arith.cmpi sgt, %squeeze3A, %gt3A : i32
        %convert_element_type3A_220 = arith.extui %gt3A_219 : i1 to i32
        %cond3A_221 = arith.constant 0 : i32
        %cond3A_222 = arith.cmpi ne, %convert_element_type3A_220, %cond3A_221 : i32
        scf.if %cond3A_222 {
          %swap3A_223 = arith.constant 1 : i32
          %swap3A_224 = arith.constant 1 : i32
          %swap3A_225 = arith.index_cast %swap3A_224 : i32 to index
          %swap3A_226 = memref.load %arg15[%swap3A_225] : memref<2xi32, #tpu.memory_space<smem>>
          memref.store %swap3A_223, %arg15[%swap3A_225] : memref<2xi32, #tpu.memory_space<smem>>
          %parallel_loop3A_227 = arith.constant 0 : i32
          %parallel_loop3A_228 = arith.constant 32 : i32
          %parallel_loop3A_229 = arith.constant 1 : i32
          scf.for %parallel_loop3A_230 = %parallel_loop3A_227 to %parallel_loop3A_228 step %parallel_loop3A_229  : i32 {
            %parallel_loop3A_231 = arith.constant 16 : i32
            %parallel_loop3A_232 = arith.muli %parallel_loop3A_230, %parallel_loop3A_231 : i32
            %parallel_loop3A_233 = arith.index_cast %add3A_209 : i32 to index
            %parallel_loop3A_234 = arith.index_cast %parallel_loop3A_232 : i32 to index
            %parallel_loop3A_235 = tpu.vector_load %arg13[%parallel_loop3A_233, %parallel_loop3A_234] {strides = array<i32>} : memref<8x512xf32, #tpu.memory_space<vmem>>, vector<16xf32>,
            %parallel_loop3A_236 = arith.constant 6.400000e+01 : f32
            %parallel_loop3A_237 = vector.broadcast %parallel_loop3A_236 : f32 to vector<16xf32>
            %parallel_loop3A_238 = arith.mulf %parallel_loop3A_235, %parallel_loop3A_237 : vector<16xf32>
            %parallel_loop3A_239 = arith.addf %convert_element_type3A_212, %parallel_loop3A_238 : vector<16xf32>
            %parallel_loop3A_240 = arith.constant 0.000000e+00 : f32
            %parallel_loop3A_241 = vector.broadcast %parallel_loop3A_240 : f32 to vector<16xf32>
            %parallel_loop3A_242 = arith.cmpf oge, %parallel_loop3A_239, %parallel_loop3A_241 : vector<16xf32>
            %parallel_loop3A_243 = arith.constant 2.000000e+00 : f32
            %parallel_loop3A_244 = vector.broadcast %parallel_loop3A_243 : f32 to vector<16xf32>
            %parallel_loop3A_245 = arith.cmpf olt, %parallel_loop3A_239, %parallel_loop3A_244 : vector<16xf32>
            %parallel_loop3A_246 = arith.andi %parallel_loop3A_242, %parallel_loop3A_245 : vector<16xi1>
            %parallel_loop3A_247 = arith.index_cast %add3A_209 : i32 to index
            %parallel_loop3A_248 = arith.index_cast %parallel_loop3A_232 : i32 to index
            %parallel_loop3A_249 = tpu.vector_load %arg12[%parallel_loop3A_247, %parallel_loop3A_248] {strides = array<i32>} : memref<8x512xf32, #tpu.memory_space<vmem>>, vector<16xf32>,
            %parallel_loop3A_250 = vector.broadcast %parallel_loop3A_232 : i32 to vector<16xi32>
            %parallel_loop3A_251 = arith.addi %iota3A, %parallel_loop3A_250 : vector<16xi32>
            %parallel_loop3A_252 = arith.sitofp %parallel_loop3A_251 : vector<16xi32> to vector<16xf32>
            %parallel_loop3A_253 = arith.constant 6.400000e+01 : f32
            %parallel_loop3A_254 = vector.broadcast %parallel_loop3A_253 : f32 to vector<16xf32>
            %parallel_loop3A_255 = arith.mulf %parallel_loop3A_249, %parallel_loop3A_254 : vector<16xf32>
            %parallel_loop3A_256 = arith.addf %parallel_loop3A_252, %parallel_loop3A_255 : vector<16xf32>
            %parallel_loop3A_257 = arith.constant -1.000000e+00 : f32
            %parallel_loop3A_258 = arith.constant 5.120000e+02 : f32
            %parallel_loop3A_259 = vector.broadcast %parallel_loop3A_257 : f32 to vector<16xf32>
            %parallel_loop3A_260 = arith.maximumf %parallel_loop3A_259, %parallel_loop3A_256 : vector<16xf32>
            %parallel_loop3A_261 = vector.broadcast %parallel_loop3A_258 : f32 to vector<16xf32>
            %parallel_loop3A_262 = arith.minimumf %parallel_loop3A_261, %parallel_loop3A_260 : vector<16xf32>
            %parallel_loop3A_263 = arith.constant -1.000000e+00 : f32
            %parallel_loop3A_264 = arith.constant 3.000000e+00 : f32
            %parallel_loop3A_265 = vector.broadcast %parallel_loop3A_263 : f32 to vector<16xf32>
            %parallel_loop3A_266 = arith.maximumf %parallel_loop3A_265, %parallel_loop3A_239 : vector<16xf32>
            %parallel_loop3A_267 = vector.broadcast %parallel_loop3A_264 : f32 to vector<16xf32>
            %parallel_loop3A_268 = arith.minimumf %parallel_loop3A_267, %parallel_loop3A_266 : vector<16xf32>
            %parallel_loop3A_269 = arith.fptosi %parallel_loop3A_262 : vector<16xf32> to vector<16xi32>
            %parallel_loop3A_270 = arith.sitofp %parallel_loop3A_269 : vector<16xi32> to vector<16xf32>
            %parallel_loop3A_271 = arith.cmpf ogt, %parallel_loop3A_270, %parallel_loop3A_262 : vector<16xf32>
            %parallel_loop3A_272 = arith.constant 1.000000e+00 : f32
            %parallel_loop3A_273 = vector.broadcast %parallel_loop3A_272 : f32 to vector<16xf32>
            %parallel_loop3A_274 = arith.subf %parallel_loop3A_270, %parallel_loop3A_273 : vector<16xf32>
            %parallel_loop3A_275 = arith.select %parallel_loop3A_271, %parallel_loop3A_274, %parallel_loop3A_270 : vector<16xi1>, vector<16xf32>
            %parallel_loop3A_276 = arith.fptosi %parallel_loop3A_268 : vector<16xf32> to vector<16xi32>
            %parallel_loop3A_277 = arith.sitofp %parallel_loop3A_276 : vector<16xi32> to vector<16xf32>
            %parallel_loop3A_278 = arith.cmpf ogt, %parallel_loop3A_277, %parallel_loop3A_268 : vector<16xf32>
            %parallel_loop3A_279 = arith.constant 1.000000e+00 : f32
            %parallel_loop3A_280 = vector.broadcast %parallel_loop3A_279 : f32 to vector<16xf32>
            %parallel_loop3A_281 = arith.subf %parallel_loop3A_277, %parallel_loop3A_280 : vector<16xf32>
            %parallel_loop3A_282 = arith.select %parallel_loop3A_278, %parallel_loop3A_281, %parallel_loop3A_277 : vector<16xi1>, vector<16xf32>
            %parallel_loop3A_283 = arith.constant 0.000000e+00 : f32
            %parallel_loop3A_284 = arith.constant 5.110000e+02 : f32
            %parallel_loop3A_285 = vector.broadcast %parallel_loop3A_283 : f32 to vector<16xf32>
            %parallel_loop3A_286 = arith.maximumf %parallel_loop3A_285, %parallel_loop3A_275 : vector<16xf32>
            %parallel_loop3A_287 = vector.broadcast %parallel_loop3A_284 : f32 to vector<16xf32>
            %parallel_loop3A_288 = arith.minimumf %parallel_loop3A_287, %parallel_loop3A_286 : vector<16xf32>
            %parallel_loop3A_289 = arith.constant 1.000000e+00 : f32
            %parallel_loop3A_290 = vector.broadcast %parallel_loop3A_289 : f32 to vector<16xf32>
            %parallel_loop3A_291 = arith.addf %parallel_loop3A_275, %parallel_loop3A_290 : vector<16xf32>
            %parallel_loop3A_292 = arith.constant 0.000000e+00 : f32
            %parallel_loop3A_293 = arith.constant 5.110000e+02 : f32
            %parallel_loop3A_294 = vector.broadcast %parallel_loop3A_292 : f32 to vector<16xf32>
            %parallel_loop3A_295 = arith.maximumf %parallel_loop3A_294, %parallel_loop3A_291 : vector<16xf32>
            %parallel_loop3A_296 = vector.broadcast %parallel_loop3A_293 : f32 to vector<16xf32>
            %parallel_loop3A_297 = arith.minimumf %parallel_loop3A_296, %parallel_loop3A_295 : vector<16xf32>
            %parallel_loop3A_298 = arith.constant 0.000000e+00 : f32
            %parallel_loop3A_299 = arith.constant 2.000000e+00 : f32
            %parallel_loop3A_300 = vector.broadcast %parallel_loop3A_298 : f32 to vector<16xf32>
            %parallel_loop3A_301 = arith.maximumf %parallel_loop3A_300, %parallel_loop3A_282 : vector<16xf32>
            %parallel_loop3A_302 = vector.broadcast %parallel_loop3A_299 : f32 to vector<16xf32>
            %parallel_loop3A_303 = arith.minimumf %parallel_loop3A_302, %parallel_loop3A_301 : vector<16xf32>
            %parallel_loop3A_304 = arith.constant 1.000000e+00 : f32
            %parallel_loop3A_305 = vector.broadcast %parallel_loop3A_304 : f32 to vector<16xf32>
            %parallel_loop3A_306 = arith.addf %parallel_loop3A_282, %parallel_loop3A_305 : vector<16xf32>
            %parallel_loop3A_307 = arith.constant 0.000000e+00 : f32
            %parallel_loop3A_308 = arith.constant 2.000000e+00 : f32
            %parallel_loop3A_309 = vector.broadcast %parallel_loop3A_307 : f32 to vector<16xf32>
            %parallel_loop3A_310 = arith.maximumf %parallel_loop3A_309, %parallel_loop3A_306 : vector<16xf32>
            %parallel_loop3A_311 = vector.broadcast %parallel_loop3A_308 : f32 to vector<16xf32>
            %parallel_loop3A_312 = arith.minimumf %parallel_loop3A_311, %parallel_loop3A_310 : vector<16xf32>
            %parallel_loop3A_313 = arith.subf %parallel_loop3A_297, %parallel_loop3A_256 : vector<16xf32>
            %parallel_loop3A_314 = arith.subf %parallel_loop3A_256, %parallel_loop3A_288 : vector<16xf32>
            %parallel_loop3A_315 = arith.subf %parallel_loop3A_312, %parallel_loop3A_239 : vector<16xf32>
            %parallel_loop3A_316 = arith.subf %parallel_loop3A_239, %parallel_loop3A_303 : vector<16xf32>
            %parallel_loop3A_317 = arith.fptosi %parallel_loop3A_288 : vector<16xf32> to vector<16xi32>
            %parallel_loop3A_318 = vector.broadcast %mul3A_34 : i32 to vector<16xi32>
            %parallel_loop3A_319 = arith.addi %parallel_loop3A_317, %parallel_loop3A_318 : vector<16xi32>
            %parallel_loop3A_320 = arith.fptosi %parallel_loop3A_297 : vector<16xf32> to vector<16xi32>
            %parallel_loop3A_321 = vector.broadcast %mul3A_34 : i32 to vector<16xi32>
            %parallel_loop3A_322 = arith.addi %parallel_loop3A_320, %parallel_loop3A_321 : vector<16xi32>
            %parallel_loop3A_323 = arith.fptosi %parallel_loop3A_303 : vector<16xf32> to vector<16xi32>
            %parallel_loop3A_324 = arith.constant 4096 : i32
            %parallel_loop3A_325 = vector.broadcast %parallel_loop3A_324 : i32 to vector<16xi32>
            %parallel_loop3A_326 = arith.muli %parallel_loop3A_323, %parallel_loop3A_325 : vector<16xi32>
            %parallel_loop3A_327 = arith.fptosi %parallel_loop3A_312 : vector<16xf32> to vector<16xi32>
            %parallel_loop3A_328 = arith.constant 4096 : i32
            %parallel_loop3A_329 = vector.broadcast %parallel_loop3A_328 : i32 to vector<16xi32>
            %parallel_loop3A_330 = arith.muli %parallel_loop3A_327, %parallel_loop3A_329 : vector<16xi32>
            %parallel_loop3A_331 = arith.addi %parallel_loop3A_326, %parallel_loop3A_319 : vector<16xi32>
            %parallel_loop3A_332 = arith.addi %parallel_loop3A_330, %parallel_loop3A_319 : vector<16xi32>
            %parallel_loop3A_333 = arith.addi %parallel_loop3A_326, %parallel_loop3A_322 : vector<16xi32>
            %parallel_loop3A_334 = arith.addi %parallel_loop3A_330, %parallel_loop3A_322 : vector<16xi32>
            %parallel_loop3A_335 = arith.constant 512 : i32
            %parallel_loop3A_336 = arith.muli %add3A_209, %parallel_loop3A_335 : i32
            %parallel_loop3A_337 = arith.addi %parallel_loop3A_336, %parallel_loop3A_232 : i32
            %parallel_loop3A_338 = arith.constant 3 : i32
            %parallel_loop3A_339 = arith.muli %parallel_loop3A_337, %parallel_loop3A_338 : i32
            %parallel_loop3A_340 = tpu.vector_load_idx %arg6[%parallel_loop3A_331] masked %parallel_loop3A_246 : memref<12288xf32, #tpu.memory_space<vmem>>[vector<16xi32>], vector<16xf32>, vector<16xi1>
            %parallel_loop3A_341 = tpu.vector_load_idx %arg6[%parallel_loop3A_332] masked %parallel_loop3A_246 : memref<12288xf32, #tpu.memory_space<vmem>>[vector<16xi32>], vector<16xf32>, vector<16xi1>
            %parallel_loop3A_342 = tpu.vector_load_idx %arg6[%parallel_loop3A_333] masked %parallel_loop3A_246 : memref<12288xf32, #tpu.memory_space<vmem>>[vector<16xi32>], vector<16xf32>, vector<16xi1>
            %parallel_loop3A_343 = tpu.vector_load_idx %arg6[%parallel_loop3A_334] masked %parallel_loop3A_246 : memref<12288xf32, #tpu.memory_space<vmem>>[vector<16xi32>], vector<16xf32>, vector<16xi1>
            %parallel_loop3A_344 = arith.mulf %parallel_loop3A_313, %parallel_loop3A_340 : vector<16xf32>
            %parallel_loop3A_345 = arith.mulf %parallel_loop3A_314, %parallel_loop3A_342 : vector<16xf32>
            %parallel_loop3A_346 = arith.addf %parallel_loop3A_344, %parallel_loop3A_345 : vector<16xf32>
            %parallel_loop3A_347 = arith.mulf %parallel_loop3A_313, %parallel_loop3A_341 : vector<16xf32>
            %parallel_loop3A_348 = arith.mulf %parallel_loop3A_314, %parallel_loop3A_343 : vector<16xf32>
            %parallel_loop3A_349 = arith.addf %parallel_loop3A_347, %parallel_loop3A_348 : vector<16xf32>
            %parallel_loop3A_350 = arith.mulf %parallel_loop3A_315, %parallel_loop3A_346 : vector<16xf32>
            %parallel_loop3A_351 = arith.mulf %parallel_loop3A_316, %parallel_loop3A_349 : vector<16xf32>
            %parallel_loop3A_352 = arith.addf %parallel_loop3A_350, %parallel_loop3A_351 : vector<16xf32>
            %parallel_loop3A_353 = vector.broadcast %parallel_loop3A_339 : i32 to vector<16xi32>
            %parallel_loop3A_354 = arith.addi %parallel_loop3A_353, %mul3A_37 : vector<16xi32>
            %parallel_loop3A_355 = arith.constant 0 : i32
            %parallel_loop3A_356 = vector.broadcast %parallel_loop3A_355 : i32 to vector<16xi32>
            %parallel_loop3A_357 = arith.addi %parallel_loop3A_354, %parallel_loop3A_356 : vector<16xi32>
            %parallel_loop3A_358 = arith.constant 9 : i32
            %parallel_loop3A_359 = vector.broadcast %parallel_loop3A_358 : i32 to vector<16xi32>
            %parallel_loop3A_360 = arith.shrsi %parallel_loop3A_357, %parallel_loop3A_359 : vector<16xi32>
            %parallel_loop3A_361 = arith.constant 511 : i32
            %parallel_loop3A_362 = vector.broadcast %parallel_loop3A_361 : i32 to vector<16xi32>
            %parallel_loop3A_363 = arith.andi %parallel_loop3A_357, %parallel_loop3A_362 : vector<16xi32>
            tpu.vector_store_idx %arg14[%parallel_loop3A_360, %parallel_loop3A_363], %parallel_loop3A_352 masked %parallel_loop3A_246 : memref<24x512xf32, #tpu.memory_space<vmem>>[vector<16xi32>, vector<16xi32>], vector<16xf32>, vector<16xi1>
            %parallel_loop3A_364 = tpu.vector_load_idx %arg7[%parallel_loop3A_331] masked %parallel_loop3A_246 : memref<12288xf32, #tpu.memory_space<vmem>>[vector<16xi32>], vector<16xf32>, vector<16xi1>
            %parallel_loop3A_365 = tpu.vector_load_idx %arg7[%parallel_loop3A_332] masked %parallel_loop3A_246 : memref<12288xf32, #tpu.memory_space<vmem>>[vector<16xi32>], vector<16xf32>, vector<16xi1>
            %parallel_loop3A_366 = tpu.vector_load_idx %arg7[%parallel_loop3A_333] masked %parallel_loop3A_246 : memref<12288xf32, #tpu.memory_space<vmem>>[vector<16xi32>], vector<16xf32>, vector<16xi1>
            %parallel_loop3A_367 = tpu.vector_load_idx %arg7[%parallel_loop3A_334] masked %parallel_loop3A_246 : memref<12288xf32, #tpu.memory_space<vmem>>[vector<16xi32>], vector<16xf32>, vector<16xi1>
            %parallel_loop3A_368 = arith.mulf %parallel_loop3A_313, %parallel_loop3A_364 : vector<16xf32>
            %parallel_loop3A_369 = arith.mulf %parallel_loop3A_314, %parallel_loop3A_366 : vector<16xf32>
            %parallel_loop3A_370 = arith.addf %parallel_loop3A_368, %parallel_loop3A_369 : vector<16xf32>
            %parallel_loop3A_371 = arith.mulf %parallel_loop3A_313, %parallel_loop3A_365 : vector<16xf32>
            %parallel_loop3A_372 = arith.mulf %parallel_loop3A_314, %parallel_loop3A_367 : vector<16xf32>
            %parallel_loop3A_373 = arith.addf %parallel_loop3A_371, %parallel_loop3A_372 : vector<16xf32>
            %parallel_loop3A_374 = arith.mulf %parallel_loop3A_315, %parallel_loop3A_370 : vector<16xf32>
            %parallel_loop3A_375 = arith.mulf %parallel_loop3A_316, %parallel_loop3A_373 : vector<16xf32>
            %parallel_loop3A_376 = arith.addf %parallel_loop3A_374, %parallel_loop3A_375 : vector<16xf32>
            %parallel_loop3A_377 = vector.broadcast %parallel_loop3A_339 : i32 to vector<16xi32>
            %parallel_loop3A_378 = arith.addi %parallel_loop3A_377, %mul3A_37 : vector<16xi32>
            %parallel_loop3A_379 = arith.constant 1 : i32
            %parallel_loop3A_380 = vector.broadcast %parallel_loop3A_379 : i32 to vector<16xi32>
            %parallel_loop3A_381 = arith.addi %parallel_loop3A_378, %parallel_loop3A_380 : vector<16xi32>
            %parallel_loop3A_382 = arith.constant 9 : i32
            %parallel_loop3A_383 = vector.broadcast %parallel_loop3A_382 : i32 to vector<16xi32>
            %parallel_loop3A_384 = arith.shrsi %parallel_loop3A_381, %parallel_loop3A_383 : vector<16xi32>
            %parallel_loop3A_385 = arith.constant 511 : i32
            %parallel_loop3A_386 = vector.broadcast %parallel_loop3A_385 : i32 to vector<16xi32>
            %parallel_loop3A_387 = arith.andi %parallel_loop3A_381, %parallel_loop3A_386 : vector<16xi32>
            tpu.vector_store_idx %arg14[%parallel_loop3A_384, %parallel_loop3A_387], %parallel_loop3A_376 masked %parallel_loop3A_246 : memref<24x512xf32, #tpu.memory_space<vmem>>[vector<16xi32>, vector<16xi32>], vector<16xf32>, vector<16xi1>
            %parallel_loop3A_388 = tpu.vector_load_idx %arg8[%parallel_loop3A_331] masked %parallel_loop3A_246 : memref<12288xf32, #tpu.memory_space<vmem>>[vector<16xi32>], vector<16xf32>, vector<16xi1>
            %parallel_loop3A_389 = tpu.vector_load_idx %arg8[%parallel_loop3A_332] masked %parallel_loop3A_246 : memref<12288xf32, #tpu.memory_space<vmem>>[vector<16xi32>], vector<16xf32>, vector<16xi1>
            %parallel_loop3A_390 = tpu.vector_load_idx %arg8[%parallel_loop3A_333] masked %parallel_loop3A_246 : memref<12288xf32, #tpu.memory_space<vmem>>[vector<16xi32>], vector<16xf32>, vector<16xi1>
            %parallel_loop3A_391 = tpu.vector_load_idx %arg8[%parallel_loop3A_334] masked %parallel_loop3A_246 : memref<12288xf32, #tpu.memory_space<vmem>>[vector<16xi32>], vector<16xf32>, vector<16xi1>
            %parallel_loop3A_392 = arith.mulf %parallel_loop3A_313, %parallel_loop3A_388 : vector<16xf32>
            %parallel_loop3A_393 = arith.mulf %parallel_loop3A_314, %parallel_loop3A_390 : vector<16xf32>
            %parallel_loop3A_394 = arith.addf %parallel_loop3A_392, %parallel_loop3A_393 : vector<16xf32>
            %parallel_loop3A_395 = arith.mulf %parallel_loop3A_313, %parallel_loop3A_389 : vector<16xf32>
            %parallel_loop3A_396 = arith.mulf %parallel_loop3A_314, %parallel_loop3A_391 : vector<16xf32>
            %parallel_loop3A_397 = arith.addf %parallel_loop3A_395, %parallel_loop3A_396 : vector<16xf32>
            %parallel_loop3A_398 = arith.mulf %parallel_loop3A_315, %parallel_loop3A_394 : vector<16xf32>
            %parallel_loop3A_399 = arith.mulf %parallel_loop3A_316, %parallel_loop3A_397 : vector<16xf32>
            %parallel_loop3A_400 = arith.addf %parallel_loop3A_398, %parallel_loop3A_399 : vector<16xf32>
            %parallel_loop3A_401 = vector.broadcast %parallel_loop3A_339 : i32 to vector<16xi32>
            %parallel_loop3A_402 = arith.addi %parallel_loop3A_401, %mul3A_37 : vector<16xi32>
            %parallel_loop3A_403 = arith.constant 2 : i32
            %parallel_loop3A_404 = vector.broadcast %parallel_loop3A_403 : i32 to vector<16xi32>
            %parallel_loop3A_405 = arith.addi %parallel_loop3A_402, %parallel_loop3A_404 : vector<16xi32>
            %parallel_loop3A_406 = arith.constant 9 : i32
            %parallel_loop3A_407 = vector.broadcast %parallel_loop3A_406 : i32 to vector<16xi32>
            %parallel_loop3A_408 = arith.shrsi %parallel_loop3A_405, %parallel_loop3A_407 : vector<16xi32>
            %parallel_loop3A_409 = arith.constant 511 : i32
            %parallel_loop3A_410 = vector.broadcast %parallel_loop3A_409 : i32 to vector<16xi32>
            %parallel_loop3A_411 = arith.andi %parallel_loop3A_405, %parallel_loop3A_410 : vector<16xi32>
            tpu.vector_store_idx %arg14[%parallel_loop3A_408, %parallel_loop3A_411], %parallel_loop3A_400 masked %parallel_loop3A_246 : memref<24x512xf32, #tpu.memory_space<vmem>>[vector<16xi32>, vector<16xi32>], vector<16xf32>, vector<16xi1>
          } {sc.loop_unroll_factor = 1 : i64, sc.parallel_access}
        } else {
        }
      }
      %scan3A_196 = arith.constant 8 : i32
      %mul3A_197 = arith.constant 3 : i32
      %mul3A_198 = arith.muli %mul3A_197, %mul3A_151 : i32
      %dma_start3A_199 = arith.constant 0 : i32
      %dma_start3A_200 = tpu.memref_slice %arg4[%select_n3A, %mul3A_198, %dma_start3A_199] : memref<8x1536x512xf32, #tpu.memory_space<hbm>> -> memref<1x24x512xf32, #tpu.memory_space<hbm>>
      %dma_start3A_201 = tpu.memref_squeeze %dma_start3A_200 : memref<1x24x512xf32, #tpu.memory_space<hbm>> -> memref<24x512xf32, #tpu.memory_space<hbm>>
      %dma_start3A_202 = arith.constant 0 : i32
      %dma_start3A_203 = tpu.memref_slice %arg4[%select_n3A, %mul3A_198, %dma_start3A_202] : memref<8x1536x512xf32, #tpu.memory_space<hbm>> -> memref<1x24x512xf32, #tpu.memory_space<hbm>>
      %dma_start3A_204 = tpu.memref_squeeze %dma_start3A_203 : memref<1x24x512xf32, #tpu.memory_space<hbm>> -> memref<24x512xf32, #tpu.memory_space<hbm>>
      tpu.enqueue_dma source(%arg14 : memref<24x512xf32, #tpu.memory_space<vmem>>) target(%dma_start3A_204 : memref<24x512xf32, #tpu.memory_space<hbm>>) target_semaphore(%arg19 : memref<!tpu.dma_semaphore, #tpu.memory_space<semaphore_mem>>)
    }
    %scan3A_67 = arith.constant 8 : i32
    %dma_wait3A = arith.constant 0 : i32
    %dma_wait3A_68 = arith.constant 0 : i32
    %dma_wait3A_69 = arith.constant 0 : i32
    %dma_wait3A_70 = tpu.memref_slice %arg4[%dma_wait3A, %dma_wait3A_68, %dma_wait3A_69] : memref<8x1536x512xf32, #tpu.memory_space<hbm>> -> memref<1x24x512xf32, #tpu.memory_space<hbm>>
    %dma_wait3A_71 = tpu.memref_squeeze %dma_wait3A_70 : memref<1x24x512xf32, #tpu.memory_space<hbm>> -> memref<24x512xf32, #tpu.memory_space<hbm>>
    %dma_wait3A_72 = arith.constant 0 : i32
    %dma_wait3A_73 = arith.constant 0 : i32
    %dma_wait3A_74 = tpu.memref_slice %arg4[%dma_wait3A, %dma_wait3A_72, %dma_wait3A_73] : memref<8x1536x512xf32, #tpu.memory_space<hbm>> -> memref<1x24x512xf32, #tpu.memory_space<hbm>>
    %dma_wait3A_75 = tpu.memref_squeeze %dma_wait3A_74 : memref<1x24x512xf32, #tpu.memory_space<hbm>> -> memref<24x512xf32, #tpu.memory_space<hbm>>
    tpu.wait_dma2 semaphore(%arg17 : memref<!tpu.dma_semaphore, #tpu.memory_space<semaphore_mem>>) src(%arg11 : memref<24x512xf32, #tpu.memory_space<vmem>>) dst(%dma_wait3A_75 : memref<24x512xf32, #tpu.memory_space<hbm>>)
    %dma_wait3A_76 = arith.constant 0 : i32
    %dma_wait3A_77 = arith.constant 0 : i32
    %dma_wait3A_78 = arith.constant 0 : i32
    %dma_wait3A_79 = tpu.memref_slice %arg4[%dma_wait3A_76, %dma_wait3A_77, %dma_wait3A_78] : memref<8x1536x512xf32, #tpu.memory_space<hbm>> -> memref<1x24x512xf32, #tpu.memory_space<hbm>>
    %dma_wait3A_80 = tpu.memref_squeeze %dma_wait3A_79 : memref<1x24x512xf32, #tpu.memory_space<hbm>> -> memref<24x512xf32, #tpu.memory_space<hbm>>
    %dma_wait3A_81 = arith.constant 0 : i32
    %dma_wait3A_82 = arith.constant 0 : i32
    %dma_wait3A_83 = tpu.memref_slice %arg4[%dma_wait3A_76, %dma_wait3A_81, %dma_wait3A_82] : memref<8x1536x512xf32, #tpu.memory_space<hbm>> -> memref<1x24x512xf32, #tpu.memory_space<hbm>>
    %dma_wait3A_84 = tpu.memref_squeeze %dma_wait3A_83 : memref<1x24x512xf32, #tpu.memory_space<hbm>> -> memref<24x512xf32, #tpu.memory_space<hbm>>
    tpu.wait_dma2 semaphore(%arg19 : memref<!tpu.dma_semaphore, #tpu.memory_space<semaphore_mem>>) src(%arg14 : memref<24x512xf32, #tpu.memory_space<vmem>>) dst(%dma_wait3A_84 : memref<24x512xf32, #tpu.memory_space<hbm>>)
    return
  }
}

</mosaic_0001>

<sc_bundles>
// kernel: kernel.3.cloned.1.call-start
scs
__scs_entry_jumppad:
0x0: {  	(pc) =	sbr.rel $0x88, $3  }
0x1: {  	(tag) =	ssettag $0x0;
	lr =	simm.s32 $0x1  }
0x2: {  	[smem:$0x3F9F] =	sst lr;
	_ =	strace $0xD0000000  }
0x3: {  	_ = 	snop  }
0x4: {  	_ = 	snop  }
0x5: {  	_ = 	snop  }
0x6: {  	_ = 	snop  }
0x7: {  	_ = 	snop  }
__scs_overlays_trampoline_lowered:
0x8: {  	[smem:$0x3FAE] =	sst s0  }
0x9: {  	[smem:$0x3FAF] =	sst s1  }
0xa: {  	[smem:$0x3FB0] =	sst s2  }
0xb: {  	[smem:$0x3FB1] =	sst s3  }
0xc: {  	[smem:$0x3FB2] =	sst s4  }
0xd: {  	[smem:$0x3FB3] =	sst s5  }
0xe: {  	[smem:$0x3FB4] =	sst s6  }
0xf: {  	[smem:$0x3FB5] =	sst s7  }
0x10: {  	[smem:$0x3FB6] =	sst s8  }
0x11: {  	[smem:$0x3FB7] =	sst s9;
	s0 =	simm.s32 @!p0 $0x0  }
0x12: {  	s1 =	sld [smem:$0x3F9D];
	s0 =	simm.s32 @p0 $0x1  }
0x13: {  	[smem:$0x3FB8] =	sst s0;
	s0 =	simm.s32 @!p1 $0x0  }
0x14: {  	s2 =	sld [smem:$0x3F9C];
	s0 =	simm.s32 @p1 $0x1  }
0x15: {  	[smem:$0x3FB9] =	sst s0;
	s0 =	simm.s32 @!p2 $0x0  }
0x16: {  	s3 =	sld [smem:$0x3FDB];
	s0 =	simm.s32 @p2 $0x1  }
0x17: {  	s4 =	simm.s32 $0x1BF5;
	[smem:$0x3FBB] =	sst s0  }
0x18: {  	s0 =	sld [smem:$0x3F9E];
	_ =	swait.ge [sflag:s4], $0x0  }
0x19: {  	s7 =	sld [smem:$0x3F9F]  }
0x1a: {  	s8 =	sadd.s32 $0xFFFFE003, lr  }
0x1b: {  	s9 =	sadd.s32 $0xFFFFFEF7, lr;
	s5 =	simm.s32 $0xFFFFFFFF;
	p2 =	slt.u32 s8, $0xFFFFF086  }
0x1c: {  	p1 =	slt.u32 s9, $0xF7A;
	s5 =	simm.s32 @!p2 $0x0  }
0x1d: {  	s5 =	simm.s32 @p1 $0x1;
	p0 =	seq.s32 s7, s2  }
0x1e: {  	s7 =	smul.u32 @!p0 $0xF7A, s2;
	p2 =	seq.s32 @!p0 s5, $0x0  }
0x1f: {  	s9 =	smul.u32 $0xF7A, s1;
	s8 =	simm.s32 @!p0 $0x1BF5;
	p2 =	por !p2, p0  }
0x20: {  	[sflag:s8] =	ssyncset.s32 @!p0 $0xFFFFF086;
	s6 =	sadd.s32 @!p0 s3, s7;
	s7 =	simm.s32 @!p0 $0x108  }
0x21: {  	s3 =	sadd.s32 s3, s9;
	s6 =	sadd.s32 @!p0 $0x88, s6;
	s7 =	simm.s32 @p2 $0x1082  }
0x22: {  	[simem:s7], [sflag:s8] =	dma.local @!p0 [hbm:s6], $0xF7A  }
0x23: {  	s9 =	sor.u32 $0xD0000000, s2;
	s6 =	simm.s32 $0x108;
	_ =	swait.ge @!p0 [sflag:s8], $0x0  }
0x24: {  	s3 =	sadd.s32 $0x88, s3;
	s6 =	simm.s32 @!p1 $0x1082;
	[sflag:s4] =	ssyncset.s32 $0xFFFFF086  }
0x25: {  	[simem:s6], [sflag:s4] =	dma.local [hbm:s3], $0xF7A  }
0x26: {  	[smem:$0x3F9F] =	sst s1;
	(tag) =	ssettag s2;
	_ =	strace s9  }
0x27: {  	s1 =	sld [smem:$0x3FAF]  }
0x28: {  	s2 =	sld [smem:$0x3FB0]  }
0x29: {  	s4 =	sld [smem:$0x3FB2]  }
0x2a: {  	p0 =	seq.s32 s5, $0x0;
	s5 =	sld [smem:$0x3FB3]  }
0x2b: {  	s6 =	sld [smem:$0x3FB4]  }
0x2c: {  	s7 =	sld [smem:$0x3FB5]  }
0x2d: {  	s3 =	simm.s32 $0x108;
	s8 =	sld [smem:$0x3FB6]  }
0x2e: {  	s3 =	simm.s32 @!p0 $0x1082;
	s9 =	sld [smem:$0x3FB7]  }
0x2f: {  	lr =	sadd.s32 s0, s3;
	s0 =	sld [smem:$0x3FAE]  }
0x30: {  	s3 =	sld [smem:$0x3FB1]  }
0x31: {  	[smem:$0x3FBA] =	sst s10  }
0x32: {  	s10 =	sld [smem:$0x3FB8];
	_ =	sdelay $0x3  }
0x33: {  	p0 =	seq.s32 s10, $0x1;
	s10 =	sld [smem:$0x3FBA];
	_ =	sdelay $0x3  }
0x34: {  	[smem:$0x3FBA] =	sst s10  }
0x35: {  	s10 =	sld [smem:$0x3FB9];
	_ =	sdelay $0x3  }
0x36: {  	p1 =	seq.s32 s10, $0x1;
	s10 =	sld [smem:$0x3FBA];
	_ =	sdelay $0x3  }
0x37: {  	[smem:$0x3FBA] =	sst s10  }
0x38: {  	s10 =	sld [smem:$0x3FBB]  }
0x39: {  	_ = 	snop;
	(pc) =	sbr.ind lr, $3  }
0x3a: {  	_ = 	snop  }
0x3b: {  	_ = 	snop  }
0x3c: {  	p2 =	seq.s32 s10, $0x1;
	s10 =	sld [smem:$0x3FBA]  }
0x3d: {  	_ =	shalt  }
0x3e: {  	_ =	shalt  }
0x3f: {  	_ =	shalt  }
0x40: {  	_ =	shalt  }
0x41: {  	_ =	shalt  }
0x42: {  	_ =	shalt  }
0x43: {  	_ =	shalt  }
0x44: {  	_ =	shalt  }
0x45: {  	_ =	shalt  }
0x46: {  	_ =	shalt  }
0x47: {  	_ =	shalt  }
0x48: {  	_ =	shalt  }
0x49: {  	_ =	shalt  }
0x4a: {  	_ =	shalt  }
0x4b: {  	_ =	shalt  }
0x4c: {  	_ =	shalt  }
0x4d: {  	_ =	shalt  }
0x4e: {  	_ =	shalt  }
0x4f: {  	_ =	shalt  }
0x50: {  	_ =	shalt  }
0x51: {  	_ =	shalt  }
0x52: {  	_ =	shalt  }
0x53: {  	_ =	shalt  }
0x54: {  	_ =	shalt  }
0x55: {  	_ =	shalt  }
0x56: {  	_ =	shalt  }
0x57: {  	_ =	shalt  }
0x58: {  	_ =	shalt  }
0x59: {  	_ =	shalt  }
0x5a: {  	_ =	shalt  }
0x5b: {  	_ =	shalt  }
0x5c: {  	_ =	shalt  }
0x5d: {  	_ =	shalt  }
0x5e: {  	_ =	shalt  }
0x5f: {  	_ =	shalt  }
0x60: {  	_ =	shalt  }
0x61: {  	_ =	shalt  }
0x62: {  	_ =	shalt  }
0x63: {  	_ =	shalt  }
0x64: {  	_ =	shalt  }
0x65: {  	_ =	shalt  }
0x66: {  	_ =	shalt  }
0x67: {  	_ =	shalt  }
0x68: {  	_ =	shalt  }
0x69: {  	_ =	shalt  }
0x6a: {  	_ =	shalt  }
0x6b: {  	_ =	shalt  }
0x6c: {  	_ =	shalt  }
0x6d: {  	_ =	shalt  }
0x6e: {  	_ =	shalt  }
0x6f: {  	_ =	shalt  }
0x70: {  	_ =	shalt  }
0x71: {  	_ =	shalt  }
0x72: {  	_ =	shalt  }
0x73: {  	_ =	shalt  }
0x74: {  	_ =	shalt  }
0x75: {  	_ =	shalt  }
0x76: {  	_ =	shalt  }
0x77: {  	_ =	shalt  }
0x78: {  	_ =	shalt  }
0x79: {  	_ =	shalt  }
0x7a: {  	_ =	shalt  }
0x7b: {  	_ =	shalt  }
0x7c: {  	_ =	shalt  }
0x7d: {  	_ =	shalt  }
0x7e: {  	_ =	shalt  }
0x7f: {  	_ =	shalt  }
0x80: {  	_ =	shalt  }
0x81: {  	_ =	shalt  }
0x82: {  	_ =	shalt  }
0x83: {  	_ =	shalt  }
0x84: {  	_ =	shalt  }
0x85: {  	_ =	shalt  }
0x86: {  	_ =	shalt  }
0x87: {  	_ =	shalt  }
.Lfunc_end0:
.L_simem_size_0:
called_computation_lowered:
.L_overlay_start_0:
0x88: {  	s2 =	sld [smem:$0x3FD9]  }
0x89: {  	s3 =	sld [smem:$0x3FFE];
	_ =	sdelay $0x1  }
0x8a: {  	s1 =	srdreg.scid  }
0x8b: {  	s0 =	sand.u32 $0x1, s1  }
0x8c: {  	s17 =	sshll.u32 s0, $0xA;
	s2 =	sadd.s32 s3, s2  }
0x8d: {  	s2 =	sadd.s32 s2, s17  }
0x8e: {  	[smem:$0x3FC6] =	sst s2  }
0x8f: {  	_ = 	snop  }
0x90: {  	s2 =	sld [smem:$0x3FC9]  }
0x91: {  	s18 =	sld [smem:$0x3FD0];
	(tm) =	ssettm $0x1  }
0x92: {  	s4 =	sld [smem:$0x3FFB];
	_ =	sdelay $0x3  }
0x93: {  	_ =	strace s4  }
0x94: {  	s4 =	sld [smem:$0x3FFC];
	_ =	sdelay $0x3  }
0x95: {  	_ =	strace s4  }
0x96: {  	s4 =	sld [smem:$0x3FFD];
	_ =	sdelay $0x3  }
0x97: {  	_ =	strace s4  }
0x98: {  	_ =	strace $0x8FFFFFFF  }
0x99: {  	s19 =	sld [smem:$0x3FDB];
	_ =	sdelay $0x1  }
0x9a: {  	s5 =	simm.s32 $_scs_section_size  }
0x9b: {  	s6 =	simm.s32 $_size__tile_overlayer_lowered;
	s7 =	simm.s32 $_tile_overlayer_lowered  }
0x9c: {  	s22 =	simm.s32 $0x1BFF;
	s21 =	sshll.u32 s7, $0x1;
	s4 =	sadd.s32 s5, s19  }
0x9d: {  	s8 =	simm.s32 $0x0;
	s20 =	sshll.u32 s6, $0x1;
	s6 =	sadd.s32 s21, s4  }
0x9e: {  	[timem:s8], [sflag:s22] =	dma.local [hbm:s6], s20  }
0x9f: {  	_ =	swait.ge [sflag:s22], s20  }
0xa0: {  	s5 =	ssub.s32 $0x0, s20;
	[sflag:s22] =	ssyncset.done $0x0  }
0xa1: {  	[sflag:s22] =	ssyncadd.s32 s5;
	_ =	sdelay $0x1  }
0xa2: {  	s23 =	simm.s32 $0x1B8B  }
0xa3: {  	_ =	swait.ge [sflag:s23], $0x1  }
0xa4: {  	[sflag:s23] =	ssyncset.done $0x0  }
0xa5: {  	s25 =	simm.s32 $0x1B8E;
	s24 =	sld [smem:$0x3FFE];
	[sflag:s23] =	ssyncadd.s32 $0xFFFFFFFF  }
0xa6: {  	s26 =	simm.s32 $execute0_lowered;
	[smem:$0x3FD2] =	sst s25  }
0xa7: {  	s6 =	sshll.u32 s26, $0x1;
	_ =	strace $0x80000046;
	[dreg:$0x1] =	wrdreg $0xFFFFFFFF  }
0xa8: {  	s28 =	simm.s32 $_size_execute0_lowered;
	s4 =	sadd.s32 s4, s6;
	[dreg:$0x0] =	wrdreg $0x0  }
0xa9: {  	s6 =	sshll.u32 s28, $0x1;
	[dreg:$0x2] =	wrdreg s4  }
0xaa: {  	[dreg:$0x3] =	wrdreg s6  }
0xab: {  	[dreg:$0x4] =	wrdreg $0xC0  }
0xac: {  	_ =	task [dreg:s8], $0x5FFFF  }
0xad: {  	[dreg:$0x1] =	wrdreg $0xFFFFFFFF  }
0xae: {  	[dreg:$0x0] =	wrdreg $0x60  }
0xaf: {  	[dreg:$0x2] =	wrdreg s2  }
0xb0: {  	[dreg:$0x3] =	wrdreg s24  }
0xb1: {  	[dreg:$0x4] =	wrdreg s18  }
0xb2: {  	[dreg:$0x5] =	wrdreg $0x9  }
0xb3: {  	_ =	task.clear_ibuf [dreg:s8], $0x6FFFF;
	_ =	strace $0x90000046  }
0xb4: {  	s29 =	simm.s32 $0x9;
	_ =	strace $0x80000048  }
0xb5: {  	_ =	swait.ge [sflag:s29], $0x1  }
0xb6: {  	[sflag:s29] =	ssyncadd.s32 $0xFFFFFFFF  }
0xb7: {  	_ =	strace $0x90000048  }
0xb8: {  	_ =	sfence  }
0xb9: {  	s30 =	sld [smem:$0x0];
	_ =	sdelay $0x2  }
0xba: {  	s31 =	sshll.u32 s1, $0xD;
	s1 =	sshrl.u32 s1, $0x2  }
0xbb: {  	s3 =	sand.u32 $0x4000, s31;
	s1 =	sadd.s32 s1, s30  }
0xbc: {  	s0 =	sor.u32 s3, s0;
	s1 =	sshll.u32 s1, $0x11  }
0xbd: {  	s0 =	sor.u32 s1, s0  }
0xbe: {  	s0 =	sadd.s32 $0x8F2B, s0  }
0xbf: {  	[sflag:s0] =	ssyncadd.remote.s32 $0x1  }
0xc0: {  	_ =	sfence.sel $0xFFFF  }
0xc1: {  	[dreg:$0x0] =	wrdreg $0xFFFFFFFF;
	(pc) =	sbr.abs _section_cstart, $3  }
0xc2: {  	[dreg:$0x1] =	wrdreg $0xFFFFFFFF  }
0xc3: {  	_ =	task.clear_ibuf [dreg:s8], $0x2FFFF;
	_ =	strace $0x9FFFFFFF  }
0xc4: {  	(tm) =	ssettm $0x7FFFFFFF  }
0xc5: {  	_ =	shalt  }
tec
execute0_lowered:
.L_overlay_start_1:
0x0: {  	(tag) =	ssettag $0x1  }
0x1: {  	s1 =	rddreg [dreg:$0x0]  }
0x2: {  	s5 =	stileid.u32;
	s0 =	rddreg [dreg:$0x1]  }
0x3: {  	s2 =	srdreg.scid;
	s3 =	rddreg [dreg:$0x2];
	s16 =	simm.s32 $0x1  }
0x4: {  	s18 =	simm.s32 $0x17000;
	s19 =	simm.s32 $0x18000;
	s20 =	simm.s32 $0x9000  }
0x5: {  	s21 =	simm.s32 $0x14000;
	s22 =	simm.s32 $0xC000;
	s23 =	simm.s32 $0xF000  }
0x6: {  	s24 =	simm.s32 $0x3;
	s4 =	sshll.u32 s5, $0x1;
	s2 =	sand.u32 $0x1, s2  }
0x7: {  	s8 =	sshrl.u32 s5, $0x1;
	s5 =	simm.s32 $0x0;
	s0 =	sadd.s32 $0x400, s0  }
0x8: {  	s4 =	sand.u32 $0x2, s4;
	s6 =	sshll.u32 s8, $0x13;
	[smem:$0x7FF] =	sst s5  }
0x9: {  	s4 =	sor.u32 s2, s4;
	_ =	strace $0x80000047;
	s2 =	ssub.s32 $0x2, s2  }
0xa: {  	[dreg:$0x4] =	wrdreg s0;
	s7 =	sshll.u32 s4, $0xC;
	s30 =	sshrl.u32 s2, $0x1  }
.Ltmp0:
0xb: {  	s7 =	sor.u32 s6, s7;
	s0 =	ssub.s32 s2, s30;
	(pc) =	sbr.rel .LBB2_1-.Ltmp0, $4  }
0xc: {  	v0 =	vlaneseq.u32;
	s25 =	simm.s32 $0x19000;
	s9 =	sshrl.u32 s7, $0x3;
	s0 =	smax.u32 s0, $0x1  }
0xd: {  	v1 =	vmul.u32 $0x3, v0;
	s31 =	sshll.u32 s8, $0x9;
	s9 =	sadd.s32 s1, s9;
	[dreg:$0x7] =	wrdreg s0  }
0xe: {  	vm0 =	vmxor vm0, vm0;
	v5 =	vimm.f32 $0.0e+00;
	s12 =	smul.u32 $0xC0000, s8;
	[dreg:$0x5] =	wrdreg s9;
	s9 =	sadd.s32 $0x8000, s9  }
0xf: {  	s8 =	simm.s32 $0x0;
	v2 =	vmov s31;
	v3 =	vadd.s32 $0x1, v1;
	v4 =	vadd.s32 $0x2, v1;
	s11 =	sor.u32 $0x8, s4;
	[dreg:$0x6] =	wrdreg s9  }
.LBB2_31:
0x10: {  	s0 =	simm.s32 $0x2  }
0x11: {  	_ =	swait.ge [sflag:s0], $0x3000  }
0x12: {  	[sflag:s0] =	ssyncset.done $0x0  }
0x13: {  	s2 =	simm.s32 $0x4;
	[sflag:s0] =	ssyncadd.s32 $0xFFFFD000  }
0x14: {  	_ =	swait.ge [sflag:s2], $0x3000  }
0x15: {  	s8 =	rddreg [dreg:$0x8]  }
0x16: {  	s31 =	rddreg [dreg:$0x7];
	s8 =	sadd.s32 $0x1, s8  }
0x17: {  	p0 =	sne.s32 s8, s31  }
.Ltmp1:
0x18: {  	_ = 	snop;
	(pc) =	sbr.rel @!p0 .LBB2_32-.Ltmp1, $3  }
0x19: {  	_ =	sdelay $0x1  }
0x1a: {  	[sflag:s2] =	ssyncset.done $0x0  }
0x1b: {  	[sflag:s2] =	ssyncadd.s32 $0xFFFFD000  }
.LBB2_1:
0x1c: {  	[dreg:$0x8] =	wrdreg s8  }
0x1d: {  	s0 =	rddreg [dreg:$0x5];
	s17 =	simm.s32 $0x10  }
0x1e: {  	s26 =	simm.s32 $0x20;
	s29 =	rddreg [dreg:$0x6];
	v6 =	vmov s17  }
0x1f: {  	s2 =	simm.s32 $0x12000;
	s28 =	simm.s32 $0x30;
	[smem:$0x0] =	sst s16;
	v7 =	vmov s26;
	v6 =	vmul.u32 $0x3, v6  }
0x20: {  	[tilespmem:s2], [sflag:$0x1] =	stream.linear.gather [hbm4b:s0+s5], $0x1000, $0x38;
	v8 =	vmov s28;
	v7 =	vmul.u32 $0x3, v7;
	[tilespmem:$0x1C000] =	vst v63  }
0x21: {  	s31 =	simm.s32 $0x13000;
	v9 =	vmov s5;
	[smem:$0x1] =	sst s16;
	v8 =	vmul.u32 $0x3, v8;
	v6 =	vbroadcast v6, $0x0  }
0x22: {  	v9 =	vmul.u32 $0x3, v9;
	[tilespmem:s31], [sflag:$0x1] =	stream.linear.gather [hbm4b:s29+s5], $0x1000, $0x38;
	v7 =	vbroadcast v7, $0x0;
	[tilespmem:$0x1C000] =	vst v63  }
0x23: {  	s8 =	simm.s32 $0x5;
	s9 =	simm.s32 $0x40;
	s2 =	rddreg [dreg:$0x4];
	v8 =	vbroadcast v8, $0x0;
	v10 =	vadd.s32 v1, v6  }
0x24: {  	v14 =	vmov s9;
	v9 =	vbroadcast v9, $0x0;
	[tilespmem:s5], [sflag:$0x5] =	stream.linear.gather [hbm4b:s2+s5], $0x9000, $0x38;
	v11 =	vadd.s32 v1, v7;
	[tilespmem:$0x1C000] =	vst v63  }
0x25: {  	v14 =	vmul.u32 $0x3, v14;
	_ =	swait.ge [sflag:s8], $0x9000;
	v12 =	vadd.s32 v1, v8  }
0x26: {  	v13 =	vor.u32 v1, v9;
	[sflag:s8] =	ssyncset.done $0x0  }
0x27: {  	v24 =	vbroadcast v14, $0x0;
	[sflag:s8] =	ssyncadd.s32 $0xFFFF7000  }
0x28: {  	s10 =	simm.s32 $0x50;
	v10 =	vld.idx.msk [tilespmem:v10+s5+$0x0], $0xffff  }
0x29: {  	s13 =	simm.s32 $0x60;
	v16 =	vmov s10;
	v21 =	vor.u32 v1, v24;
	v11 =	vld.idx.msk [tilespmem:v11+s5+$0x0], $0xffff  }
0x2a: {  	s14 =	simm.s32 $0x70;
	v17 =	vmov s13;
	v16 =	vmul.u32 $0x3, v16;
	v18 =	vadd.s32 v3, v7;
	v12 =	vld.idx.msk [tilespmem:v12+s5+$0x0], $0xffff  }
0x2b: {  	v19 =	vmov s14;
	v17 =	vmul.u32 $0x3, v17;
	v14 =	vadd.s32 v3, v8;
	v13 =	vld.idx.msk [tilespmem:v13+s5+$0x0], $0xffff  }
0x2c: {  	s15 =	simm.s32 $0x9020;
	v19 =	vmul.u32 $0x3, v19;
	v16 =	vbroadcast v16, $0x0;
	v20 =	vor.u32 v3, v9  }
0x2d: {  	v17 =	vbroadcast v17, $0x0;
	v15 =	vadd.s32 v3, v6;
	[tilespmem:s15+$0xFFFFFFF0] =	vst v10  }
0x2e: {  	v25 =	vbroadcast v19, $0x0;
	v19 =	vld.idx.msk [tilespmem:v21+s5+$0x0], $0xffff;
	v10 =	vadd.s32 v1, v16;
	[tilespmem:s15+$0x0] =	vst v11  }
0x2f: {  	v11 =	vadd.s32 v1, v17;
	[tilespmem:s15+$0x10] =	vst v12;
	v18 =	vld.idx.msk [tilespmem:v18+s5+$0x0], $0xffff  }
0x30: {  	[tilespmem:s15+$0xFFFFFFE0] =	vst v13;
	v12 =	vadd.s32 v1, v25;
	v13 =	vld.idx.msk [tilespmem:v14+s5+$0x0], $0xffff  }
0x31: {  	v8 =	vadd.s32 v4, v8;
	v14 =	vld.idx.msk [tilespmem:v20+s5+$0x0], $0xffff  }
0x32: {  	s17 =	simm.s32 $0x80;
	v9 =	vor.u32 v4, v9;
	v15 =	vld.idx.msk [tilespmem:v15+s5+$0x0], $0xffff  }
0x33: {  	s26 =	simm.s32 $0xC020;
	s28 =	simm.s32 $0x90;
	v7 =	vadd.s32 v4, v7;
	v20 =	vadd.s32 v4, v6;
	v6 =	vmov s17;
	v10 =	vld.idx.msk [tilespmem:v10+s5+$0x0], $0xffff  }
0x34: {  	v22 =	vmov s28;
	v6 =	vmul.u32 $0x3, v6;
	v21 =	vld.idx.msk [tilespmem:v11+s5+$0x0], $0xffff;
	[tilespmem:s26+$0x0] =	vst v18  }
0x35: {  	v22 =	vmul.u32 $0x3, v22;
	s29 =	simm.s32 $0xA0;
	v27 =	vor.u32 v3, v24;
	v12 =	vld.idx.msk [tilespmem:v12+s5+$0x0], $0xffff;
	[tilespmem:s26+$0x10] =	vst v13  }
0x36: {  	s31 =	simm.s32 $0xB0;
	v6 =	vbroadcast v6, $0x0;
	v11 =	vadd.s32 v3, v16;
	[tilespmem:s26+$0xFFFFFFE0] =	vst v14;
	v23 =	vld.idx.msk [tilespmem:v8+s5+$0x0], $0xffff;
	v8 =	vmov s29  }
0x37: {  	s0 =	simm.s32 $0x9060;
	v18 =	vadd.s32 v3, v17;
	[tilespmem:s26+$0xFFFFFFF0] =	vst v15;
	v14 =	vld.idx.msk [tilespmem:v9+s5+$0x0], $0xffff;
	v9 =	vmov s31;
	v8 =	vmul.u32 $0x3, v8  }
0x38: {  	v13 =	vbroadcast v22, $0x0;
	v26 =	vld.idx.msk [tilespmem:v7+s5+$0x0], $0xffff;
	v7 =	vadd.s32 v3, v25;
	[tilespmem:s0+$0xFFFFFFF0] =	vst v10;
	v10 =	vmul.u32 $0x3, v9  }
0x39: {  	[tilespmem:s0+$0xFFFFFFE0] =	vst v19;
	v15 =	vor.u32 v1, v6;
	v28 =	vld.idx.msk [tilespmem:v20+s5+$0x0], $0xffff;
	v8 =	vbroadcast v8, $0x0  }
0x3a: {  	v29 =	vadd.s32 v1, v13;
	[tilespmem:s0+$0x0] =	vst v21;
	v9 =	vadd.s32 v4, v16;
	v16 =	vld.idx.msk [tilespmem:v27+s5+$0x0], $0xffff;
	v10 =	vbroadcast v10, $0x0  }
0x3b: {  	s10 =	simm.s32 $0xF020;
	[tilespmem:s0+$0x10] =	vst v12;
	v11 =	vld.idx.msk [tilespmem:v11+s5+$0x0], $0xffff;
	v22 =	vadd.s32 v1, v8  }
0x3c: {  	v18 =	vld.idx.msk [tilespmem:v18+s5+$0x0], $0xffff;
	[tilespmem:s10+$0x10] =	vst v23;
	v23 =	vadd.s32 v1, v10  }
0x3d: {  	v20 =	vadd.s32 v4, v17;
	v19 =	vld.idx.msk [tilespmem:v7+s5+$0x0], $0xffff  }
0x3e: {  	s30 =	simm.s32 $0x0;
	s13 =	simm.s32 $0x8;
	s14 =	simm.s32 $0xC0;
	v21 =	vadd.s32 v4, v25;
	v12 =	vld.idx.msk [tilespmem:v15+s5+$0x0], $0xffff;
	[tilespmem:s10+$0x0] =	vst v26  }
0x3f: {  	s9 =	simm.s32 $0x0;
	s2 =	simm.s32 $0xF060;
	s8 =	simm.s32 $0xC060;
	v15 =	vor.u32 v4, v24;
	v7 =	vadd.s32 v4, v13;
	[tilespmem:s10+$0xFFFFFFF0] =	vst v28;
	v17 =	vld.idx.msk [tilespmem:v29+s5+$0x0], $0xffff  }
.LBB2_2:
0x40: {  	v24 =	vmov s14;
	s15 =	sadd.s32 $0x10, s14;
	s17 =	sadd.s32 $0x20, s14;
	s26 =	sadd.s32 $0x30, s14;
	v25 =	vadd.s32 v3, v13;
	v22 =	vld.idx.msk [tilespmem:v22+s30+$0x0], $0xffff;
	v26 =	vadd.s32 v3, v8;
	[tilespmem:s10+$0xFFFFFFE0] =	vst v14  }
0x41: {  	s13 =	sadd.s32 $0x4, s13;
	s10 =	smov.u32 s2;
	v13 =	vmul.u32 $0x3, v24;
	v14 =	vmov s15;
	v24 =	vmov s17;
	v23 =	vld.idx.msk [tilespmem:v23+s30+$0x0], $0xffff;
	[tilespmem:s8+$0x0] =	vst v18  }
0x42: {  	p0 =	slt.u32 s13, $0x2FC;
	v14 =	vmul.u32 $0x3, v14;
	v18 =	vmul.u32 $0x3, v24;
	v24 =	vmov s26;
	v27 =	vld.idx.msk [tilespmem:v20+s9+$0x0], $0xffff;
	[tilespmem:s8+$0x10] =	vst v19  }
0x43: {  	v20 =	vadd.s32 v3, v10;
	v28 =	vbroadcast v13, $0x0;
	v19 =	vmul.u32 $0x3, v24;
	[tilespmem:s8+$0xFFFFFFE0] =	vst v16;
	v21 =	vld.idx.msk [tilespmem:v21+s9+$0x0], $0xffff  }
0x44: {  	s0 =	sadd.s32 $0x40, s0;
	v16 =	vor.u32 v3, v6;
	v13 =	vbroadcast v14, $0x0;
	v24 =	vbroadcast v18, $0x0;
	v14 =	vld.idx.msk [tilespmem:v15+s9+$0x0], $0xffff;
	[tilespmem:s8+$0xFFFFFFF0] =	vst v11  }
0x45: {  	v15 =	vor.u32 v1, v28;
	[tilespmem:s0+$0xFFFFFFF0] =	vst v17;
	v29 =	vld.idx.msk [tilespmem:v9+s9+$0x0], $0xffff;
	v9 =	vmov v7;
	s9 =	smov.u32 s30  }
0x46: {  	v30 =	vbroadcast v19, $0x0;
	v17 =	vadd.s32 v1, v13;
	v7 =	vadd.s32 v4, v13;
	v11 =	vld.idx.msk [tilespmem:v25+s9+$0x0], $0xffff;
	[tilespmem:s0+$0x0] =	vst v22  }
.Ltmp2:
0x47: {  	v22 =	vadd.s32 v1, v24;
	v18 =	vld.idx.msk [tilespmem:v26+s9+$0x0], $0xffff;
	[tilespmem:s0+$0x10] =	vst v23;
	(pc) =	sbr.rel @p0 .LBB2_2-.Ltmp2, $4  }
0x48: {  	v23 =	vadd.s32 v1, v30;
	[tilespmem:s0+$0xFFFFFFE0] =	vst v12;
	v19 =	vld.idx.msk [tilespmem:v20+s9+$0x0], $0xffff  }
0x49: {  	s30 =	simm.s32 $0x0;
	v20 =	vadd.s32 v4, v8;
	v8 =	vmov v24;
	v16 =	vld.idx.msk [tilespmem:v16+s9+$0x0], $0xffff;
	[tilespmem:s2+$0x10] =	vst v21  }
0x4a: {  	v21 =	vadd.s32 v4, v10;
	v10 =	vmov v30;
	v12 =	vld.idx.msk [tilespmem:v15+s30+$0x0], $0xffff;
	[tilespmem:s2+$0x0] =	vst v27  }
0x4b: {  	s14 =	sadd.s32 $0x40, s14;
	s8 =	sadd.s32 $0x40, s8;
	v15 =	vor.u32 v4, v6;
	s2 =	sadd.s32 $0x40, s2;
	v6 =	vmov v28;
	v17 =	vld.idx.msk [tilespmem:v17+s30+$0x0], $0xffff;
	[tilespmem:s10+$0xFFFFFFF0] =	vst v29  }
0x4c: {  	_ =	sdelay $0x1  }
0x4d: {  	[tilespmem:s10+$0xFFFFFFE0] =	vst v14  }
0x4e: {  	[tilespmem:s8+$0x0] =	vst v18;
	v13 =	vadd.s32 v3, v13  }
0x4f: {  	v54 =	vld.idx.msk [tilespmem:v23+s30+$0x0], $0xffff;
	v58 =	vor.u32 v3, v6;
	[tilespmem:s8+$0xFFFFFFF0] =	vst v11  }
0x50: {  	v22 =	vld.idx.msk [tilespmem:v22+s30+$0x0], $0xffff;
	v55 =	vadd.s32 v3, v10;
	[tilespmem:s8+$0x10] =	vst v19  }
0x51: {  	v56 =	vadd.s32 v3, v8;
	s0 =	sadd.s32 $0x40, s0;
	v59 =	vld.idx.msk [tilespmem:v20+s9+$0x0], $0xffff;
	[tilespmem:s8+$0xFFFFFFE0] =	vst v16  }
0x52: {  	v9 =	vld.idx.msk [tilespmem:v9+s9+$0x0], $0xffff;
	[tilespmem:s0+$0xFFFFFFF0] =	vst v17  }
0x53: {  	[tilespmem:s0+$0xFFFFFFE0] =	vst v12;
	v13 =	vld.idx.msk [tilespmem:v13+s30+$0x0], $0xffff  }
0x54: {  	[tilespmem:s0+$0x10] =	vst v54;
	v12 =	vld.idx.msk [tilespmem:v58+s30+$0x0], $0xffff  }
0x55: {  	v6 =	vor.u32 v4, v6;
	[tilespmem:s0+$0x0] =	vst v22;
	v14 =	vld.idx.msk [tilespmem:v55+s30+$0x0], $0xffff  }
0x56: {  	v61 =	vadd.s32 v4, v10;
	v60 =	vld.idx.msk [tilespmem:v56+s30+$0x0], $0xffff;
	[tilespmem:s2+$0x0] =	vst v59  }
0x57: {  	v62 =	vadd.s32 v4, v8;
	s28 =	sadd.s32 $0x40, s8;
	v57 =	vld.idx.msk [tilespmem:v21+s9+$0x0], $0xffff;
	[tilespmem:s2+$0xFFFFFFF0] =	vst v9  }
0x58: {  	v63 =	vld.idx.msk [tilespmem:v15+s9+$0x0], $0xffff;
	[tilespmem:s28+$0xFFFFFFF0] =	vst v13  }
0x59: {  	[tilespmem:s28+$0xFFFFFFE0] =	vst v12;
	v7 =	vld.idx.msk [tilespmem:v7+s30+$0x0], $0xffff  }
0x5a: {  	[tilespmem:s28+$0x10] =	vst v14;
	v6 =	vld.idx.msk [tilespmem:v6+s30+$0x0], $0xffff  }
0x5b: {  	[tilespmem:s28+$0x0] =	vst v60;
	v10 =	vld.idx.msk [tilespmem:v61+s30+$0x0], $0xffff  }
0x5c: {  	[tilespmem:s2+$0x10] =	vst v57;
	v8 =	vld.idx.msk [tilespmem:v62+s30+$0x0], $0xffff  }
.Ltmp3:
0x5d: {  	s29 =	sadd.s32 $0x40, s2;
	[tilespmem:s2+$0xFFFFFFE0] =	vst v63;
	(pc) =	sbr.rel .LBB2_4-.Ltmp3, $4  }
0x5e: {  	[tilespmem:s29+$0xFFFFFFF0] =	vst v7  }
0x5f: {  	[tilespmem:s29+$0xFFFFFFE0] =	vst v6  }
0x60: {  	[tilespmem:s29+$0x10] =	vst v10  }
0x61: {  	s31 =	simm.s32 $0x1;
	s2 =	simm.s32 $0x1;
	[tilespmem:s29+$0x0] =	vst v8  }
.LBB2_30:
0x62: {  	s30 =	sadd.s32 $0x1, s30  }
0x63: {  	s0 =	smul.u32 $0x3000, s0;
	p0 =	sne.s32 s30, $0x8  }
.Ltmp4:
0x64: {  	_ = 	snop;
	(pc) =	sbr.rel @!p0 .LBB2_31-.Ltmp4, $4  }
0x65: {  	s0 =	sadd.s32 s12, s0  }
0x66: {  	s0 =	sshrl.u32 s0, $0x3  }
0x67: {  	s0 =	sadd.s32 s3, s0  }
0x68: {  	[hbm4b:s0+s5] =	stream.linear.scatter [tilespmem:s25], [sflag:$0x4], $0x3000, $0x38;
	[tilespmem:$0x1C000] =	vst v63  }
.LBB2_4:
0x69: {  	s0 =	sshllo.u32 s30, $0x1  }
0x6a: {  	s8 =	sshll.u32 s0, $0xE  }
0x6b: {  	s8 =	sadd.s32 s7, s8  }
0x6c: {  	s8 =	sshrl.u32 s8, $0x3  }
0x6d: {  	s9 =	sadd.s32 s1, s8;
	s8 =	sor.u32 $0x8000, s8  }
0x6e: {  	[tilespmem:s18], [sflag:$0x3] =	stream.linear.gather [hbm4b:s9+s5], $0x1000, $0x38;
	[tilespmem:$0x1C000] =	vst v63  }
0x6f: {  	s8 =	sadd.s32 s1, s8  }
0x70: {  	[tilespmem:s19], [sflag:$0x3] =	stream.linear.gather [hbm4b:s8+s5], $0x1000, $0x38;
	[tilespmem:$0x1C000] =	vst v63  }
0x71: {  	_ =	swait.ge [sflag:s16], $0x1000  }
0x72: {  	[sflag:s16] =	ssyncset.done $0x0  }
0x73: {  	[sflag:s16] =	ssyncadd.s32 $0xFFFFF000  }
0x74: {  	p1 =	seq.s32 s2, $0x0;
	_ =	swait.ge [sflag:s16], $0x1000  }
.Ltmp5:
0x75: {  	p0 =	seq.s32 s30, $0x0;
	[sflag:s16] =	ssyncset.done $0x0;
	(pc) =	sbr.rel @p1 .LBB2_9-.Ltmp5, $4  }
0x76: {  	s8 =	simm.s32 @!p0 $0x2;
	[sflag:s16] =	ssyncadd.s32 $0xFFFFF000  }
0x77: {  	_ =	swait.ge @!p0 [sflag:s8], $0x3000  }
0x78: {  	[sflag:s8] =	ssyncset.done @!p0 $0x0  }
0x79: {  	s2 =	simm.s32 $0x0;
	[sflag:s8] =	ssyncadd.s32 @!p0 $0xFFFFD000  }
.LBB2_5:
0x7a: {  	s10 =	sshll.u32 s2, $0x7  }
0x7b: {  	s8 =	sshll.u32 s2, $0x9;
	s10 =	sand.u32 $0x380, s10  }
0x7c: {  	s9 =	sand.u32 $0x3000, s8;
	s8 =	simm.s32 $0x0;
	v6 =	vmov s10  }
0x7d: {  	s9 =	sor.u32 $0x14000, s9;
	s13 =	sand.u32 $0xC00, s8  }
0x7e: {  	s14 =	sand.u32 $0x40, s8;
	s15 =	sadd.s32 s13, s9  }
0x7f: {  	s13 =	simm.s32 $0x0;
	s10 =	sadd.s32 s14, s15;
	s14 =	simm.s32 $0x0  }
.LBB2_6:
0x80: {  	s13 =	sadd.s32 $0x4, s13  }
0x81: {  	[tilespmem:v6+s10+$0x30 ss:$0x1] =	vst.idx.msk $0xffff, v5;
	s8 =	sadd.s32 $0x200, s8;
	s14 =	sadd.s32 $0x40, s14;
	p1 =	slt.u32 s13, $0x1C  }
.Ltmp6:
0x82: {  	[tilespmem:v6+s10+$0x20 ss:$0x1] =	vst.idx.msk $0xffff, v5;
	(pc) =	sbr.rel @p1 .LBB2_6-.Ltmp6, $4  }
0x83: {  	[tilespmem:v6+s10+$0x0 ss:$0x1] =	vst.idx.msk $0xffff, v5  }
0x84: {  	s15 =	sand.u32 $0xC00, s8;
	[tilespmem:v6+s10+$0x10 ss:$0x1] =	vst.idx.msk $0xffff, v5  }
0x85: {  	s15 =	sadd.s32 s15, s9;
	s10 =	sand.u32 $0x40, s14  }
0x86: {  	s10 =	sadd.s32 s10, s15  }
0x87: {  	_ = 	snop  }
0x88: {  	s2 =	sadd.s32 $0x1, s2  }
0x89: {  	p1 =	sne.s32 s2, $0x18  }
.Ltmp7:
0x8a: {  	_ = 	snop;
	(pc) =	sbr.rel @p1 .LBB2_5-.Ltmp7, $4  }
0x8b: {  	[tilespmem:v6+s10+$0x30 ss:$0x1] =	vst.idx.msk $0xffff, v5  }
0x8c: {  	[tilespmem:v6+s10+$0x20 ss:$0x1] =	vst.idx.msk $0xffff, v5  }
0x8d: {  	[tilespmem:v6+s10+$0x0 ss:$0x1] =	vst.idx.msk $0xffff, v5  }
0x8e: {  	[tilespmem:v6+s10+$0x10 ss:$0x1] =	vst.idx.msk $0xffff, v5  }
0x8f: {  	[smem:$0x0] =	sst s5  }
.LBB2_9:
.Ltmp8:
0x90: {  	(pc) =	sbr.rel .LBB2_10-.Ltmp8, $4  }
0x91: {  	_ = 	snop  }
0x92: {  	s14 =	sshll.u32 s30, $0x3  }
0x93: {  	s10 =	simm.s32 $0x13040;
	s2 =	simm.s32 $0x0;
	s15 =	sor.u32 s4, s14  }
0x94: {  	s13 =	simm.s32 $0x0;
	s9 =	simm.s32 $0x0;
	s8 =	sshll.u32 s15, $0x3  }
.LBB2_16:
0x95: {  	s9 =	sadd.s32 $0x1, s9  }
0x96: {  	p1 =	sne.s32 s9, $0x8  }
.Ltmp9:
0x97: {  	_ = 	snop;
	(pc) =	sbr.rel @!p1 .LBB2_17-.Ltmp9, $2  }
0x98: {  	_ =	sdelay $0x2  }
0x99: {  	s10 =	sadd.s32 $0x80, s10;
	s13 =	sadd.s32 $0x600, s13  }
.LBB2_10:
0x9a: {  	v7 =	vld [tilespmem:s10+$0xFFFFFFE0]  }
0x9b: {  	v8 =	vld [tilespmem:s10+$0x30]  }
0x9c: {  	v9 =	vld [tilespmem:s10+$0x20]  }
0x9d: {  	v10 =	vld [tilespmem:s10+$0x10]  }
0x9e: {  	s17 =	sadd.s32 s8, s9;
	v11 =	vld [tilespmem:s10+$0x0]  }
0x9f: {  	v12 =	vld [tilespmem:s10+$0xFFFFFFF0];
	v6 =	vmov s17  }
0xa0: {  	v13 =	vld [tilespmem:s10+$0xFFFFFFC0];
	v6 =	vcvt.s32.f32 v6  }
0xa1: {  	v14 =	vld [tilespmem:s10+$0xFFFFFFD0]  }
0xa2: {  	v6 =	vbroadcast v6, $0x0  }
0xa3: {  	v7 =	vmul.f32 $6.400000000e+01, v7;
	v9 =	vmul.f32 $6.400000000e+01, v9  }
0xa4: {  	v8 =	vmul.f32 $6.400000000e+01, v8;
	v10 =	vmul.f32 $6.400000000e+01, v10  }
0xa5: {  	v11 =	vmul.f32 $6.400000000e+01, v11;
	v12 =	vmul.f32 $6.400000000e+01, v12;
	v7 =	vadd.f32 v7, v6  }
0xa6: {  	v13 =	vmul.f32 $6.400000000e+01, v13;
	v14 =	vmul.f32 $6.400000000e+01, v14  }
0xa7: {  	v8 =	vadd.f32 v8, v6;
	v9 =	vadd.f32 v9, v6;
	vm1 =	vge.f32 v7, $0.0e+00  }
0xa8: {  	s26 =	sadd.s32 $0x400, s10;
	vm2 =	vlt.f32 v7, $2.000000000e+00;
	v7 =	vadd.f32 v12, v6;
	v12 =	vadd.f32 v13, v6  }
0xa9: {  	v15 =	vld [tilespmem:s26+$0x10];
	v13 =	vadd.f32 v11, v6;
	v11 =	vadd.f32 v14, v6;
	vm9 =	vlt.f32 v8, $2.000000000e+00  }
0xaa: {  	v17 =	vld [tilespmem:s26+$0xFFFFFFC0];
	vm10 =	vlt.f32 v9, $2.000000000e+00;
	vm1 =	vmand vm1, vm2;
	vm3 =	vge.f32 v7, $0.0e+00  }
0xab: {  	v14 =	vld [tilespmem:s26+$0xFFFFFFE0];
	vm4 =	vlt.f32 v7, $2.000000000e+00;
	v7 =	vadd.f32 v10, v6;
	vm2 =	vmmov vm1  }
0xac: {  	v10 =	vld [tilespmem:s26+$0x30];
	vm1 =	vge.f32 v11, $0.0e+00;
	vm5 =	vlt.f32 v11, $2.000000000e+00;
	vm8 =	vlt.f32 v13, $2.000000000e+00  }
0xad: {  	v11 =	vld [tilespmem:s26+$0x20];
	vm12 =	vge.f32 v12, $0.0e+00;
	vm6 =	vmand vm1, vm5;
	vm5 =	vmand vm3, vm4  }
0xae: {  	v16 =	vld [tilespmem:s26+$0xFFFFFFF0];
	vm3 =	vge.f32 v8, $0.0e+00;
	vm4 =	vge.f32 v9, $0.0e+00;
	vm1 =	vge.f32 v7, $0.0e+00  }
0xaf: {  	vm7 =	vlt.f32 v7, $2.000000000e+00;
	v7 =	vld [tilespmem:s26+$0x0];
	vm4 =	vmand vm4, vm10;
	vm10 =	vge.f32 v13, $0.0e+00  }
0xb0: {  	vm3 =	vmand vm3, vm9;
	v13 =	vmul.f32 $6.400000000e+01, v17;
	vm1 =	vmand vm1, vm7  }
0xb1: {  	v9 =	vld [tilespmem:s26+$0xFFFFFFD0];
	vm7 =	vlt.f32 v12, $2.000000000e+00;
	v14 =	vmul.f32 $6.400000000e+01, v14;
	vm8 =	vmand vm10, vm8  }
0xb2: {  	vm7 =	vmand vm12, vm7;
	v8 =	vmul.f32 $6.400000000e+01, v11;
	v10 =	vmul.f32 $6.400000000e+01, v10  }
0xb3: {  	v14 =	vadd.f32 v14, v6;
	v11 =	vmul.f32 $6.400000000e+01, v15;
	vm6 =	vmor vm7, vm6  }
0xb4: {  	v15 =	vmul.f32 $6.400000000e+01, v7;
	v7 =	vadd.f32 v10, v6;
	v10 =	vmul.f32 $6.400000000e+01, v16  }
0xb5: {  	vm2 =	vmor vm6, vm2;
	vm11 =	vge.f32 v14, $0.0e+00;
	vm9 =	vlt.f32 v14, $2.000000000e+00  }
0xb6: {  	v14 =	vmul.f32 $6.400000000e+01, v9;
	vm5 =	vmor vm2, vm5;
	v12 =	vadd.f32 v10, v6  }
0xb7: {  	vm2 =	vmmov vm0;
	vm9 =	vmand vm11, vm9;
	v10 =	vadd.f32 v13, v6  }
0xb8: {  	s17 =	simm.s32 $0x8;
	s26 =	sadd.s32 $0x400, s26;
	v9 =	vadd.f32 v15, v6;
	v13 =	vadd.f32 v14, v6;
	vm10 =	vge.f32 v12, $0.0e+00  }
.LBB2_11:
0xb9: {  	vm6 =	vlt.f32 v12, $2.000000000e+00  }
0xba: {  	v14 =	vld [tilespmem:s26+$0xFFFFFFE0];
	s17 =	sadd.s32 $0x8, s17;
	v11 =	vadd.f32 v11, v6;
	vm7 =	vmor vm5, vm8;
	vm5 =	vmmov vm9  }
0xbb: {  	v12 =	vld [tilespmem:s26+$0x30];
	p1 =	slt.u32 s17, $0x18;
	vm8 =	vge.f32 v13, $0.0e+00;
	vm9 =	vlt.f32 v13, $2.000000000e+00;
	vm1 =	vmor vm7, vm1  }
0xbc: {  	vm6 =	vmand vm10, vm6;
	v13 =	vld [tilespmem:s26+$0x20];
	vm7 =	vmand vm8, vm9;
	vm1 =	vmor vm1, vm4  }
0xbd: {  	vm4 =	vge.f32 v11, $0.0e+00;
	vm8 =	vlt.f32 v11, $2.000000000e+00;
	v15 =	vld [tilespmem:s26+$0x10];
	vm3 =	vmor vm1, vm3  }
0xbe: {  	v11 =	vadd.f32 v8, v6;
	vm1 =	vmand vm4, vm8;
	v16 =	vld [tilespmem:s26+$0x0];
	vm2 =	vmor vm2, vm3  }
0xbf: {  	vm10 =	vlt.f32 v10, $2.000000000e+00;
	vm8 =	vlt.f32 v9, $2.000000000e+00;
	vm3 =	vge.f32 v7, $0.0e+00;
	v17 =	vld [tilespmem:s26+$0xFFFFFFF0]  }
0xc0: {  	vm9 =	vlt.f32 v7, $2.000000000e+00;
	vm4 =	vge.f32 v11, $0.0e+00;
	v14 =	vmul.f32 $6.400000000e+01, v14;
	v18 =	vld [tilespmem:s26+$0xFFFFFFC0]  }
0xc1: {  	vm11 =	vlt.f32 v11, $2.000000000e+00;
	v7 =	vmul.f32 $6.400000000e+01, v12;
	v19 =	vld [tilespmem:s26+$0xFFFFFFD0];
	v8 =	vmul.f32 $6.400000000e+01, v13  }
0xc2: {  	vm4 =	vmand vm4, vm11;
	v12 =	vadd.f32 v14, v6;
	v11 =	vmul.f32 $6.400000000e+01, v15  }
0xc3: {  	vm11 =	vge.f32 v9, $0.0e+00;
	v7 =	vadd.f32 v7, v6;
	v13 =	vmul.f32 $6.400000000e+01, v16  }
0xc4: {  	vm13 =	vge.f32 v10, $0.0e+00;
	vm3 =	vmand vm3, vm9;
	vm12 =	vge.f32 v12, $0.0e+00  }
.Ltmp10:
0xc5: {  	vm8 =	vmand vm11, vm8;
	vm9 =	vlt.f32 v12, $2.000000000e+00;
	v9 =	vmul.f32 $6.400000000e+01, v17;
	(pc) =	sbr.rel @p1 .LBB2_11-.Ltmp10, $4  }
0xc6: {  	vm10 =	vmand vm13, vm10;
	vm9 =	vmand vm12, vm9;
	v10 =	vmul.f32 $6.400000000e+01, v18  }
0xc7: {  	vm7 =	vmor vm10, vm7;
	v14 =	vmul.f32 $6.400000000e+01, v19;
	v12 =	vadd.f32 v9, v6  }
0xc8: {  	vm5 =	vmor vm7, vm5;
	v9 =	vadd.f32 v13, v6;
	v10 =	vadd.f32 v10, v6  }
0xc9: {  	vm5 =	vmor vm5, vm6;
	s26 =	sadd.s32 $0x400, s26;
	v13 =	vadd.f32 v14, v6;
	vm10 =	vge.f32 v12, $0.0e+00  }
0xca: {  	vm6 =	vlt.f32 v12, $2.000000000e+00;
	v11 =	vadd.f32 v11, v6;
	vm5 =	vmor vm5, vm8  }
0xcb: {  	vm7 =	vmmov vm9;
	vm14 =	vlt.f32 v10, $2.000000000e+00;
	vm15 =	vge.f32 v10, $0.0e+00  }
0xcc: {  	v8 =	vadd.f32 v8, v6;
	vm12 =	vge.f32 v13, $0.0e+00;
	vm13 =	vlt.f32 v13, $2.000000000e+00  }
0xcd: {  	vm1 =	vmor vm5, vm1;
	vm6 =	vmand vm10, vm6;
	vm5 =	vmand vm12, vm13  }
0xce: {  	vm1 =	vmor vm1, vm4;
	vm12 =	vge.f32 v11, $0.0e+00;
	vm4 =	vmand vm15, vm14  }
0xcf: {  	vm13 =	vlt.f32 v11, $2.000000000e+00;
	vm14 =	vlt.f32 v9, $2.000000000e+00;
	vm4 =	vmor vm4, vm5  }
0xd0: {  	vm15 =	vge.f32 v9, $0.0e+00;
	vm8 =	vmand vm12, vm13;
	vm4 =	vmor vm4, vm7  }
0xd1: {  	vm12 =	vge.f32 v7, $0.0e+00;
	vm5 =	vmand vm15, vm14;
	vm4 =	vmor vm4, vm6  }
0xd2: {  	vm13 =	vge.f32 v8, $0.0e+00;
	vm14 =	vlt.f32 v8, $2.000000000e+00;
	vm4 =	vmor vm4, vm5  }
0xd3: {  	vm15 =	vlt.f32 v7, $2.000000000e+00;
	vm6 =	vmand vm13, vm14;
	vm4 =	vmor vm4, vm8  }
0xd4: {  	vm1 =	vmor vm1, vm3;
	vm3 =	vmand vm12, vm15;
	vm4 =	vmor vm4, vm6  }
0xd5: {  	vm1 =	vmor vm2, vm1;
	vm2 =	vmor vm4, vm3  }
0xd6: {  	vm1 =	vmor vm1, vm2  }
0xd7: {  	v7 =	vmpcnt.ones.xlane vm1;
	_ =	sdelay $0x1  }
0xd8: {  	(v2sf) =	vpush v7, $0x0;
	_ =	sdelay $0xe  }
0xd9: {  	s17 =	spop (v2sf)  }
0xda: {  	p1 =	slt.s32 s17, $0x1  }
.Ltmp11:
0xdb: {  	_ = 	snop;
	(pc) =	sbr.rel @p1 .LBB2_16-.Ltmp11, $1  }
0xdc: {  	_ =	sdelay $0x3  }
0xdd: {  	s2 =	simm.s32 $0x0  }
0xde: {  	s17 =	sand.u32 $0x18, s2  }
0xdf: {  	s17 =	sadd.s32 s9, s17  }
0xe0: {  	s26 =	sand.u32 $0x70, s2;
	s17 =	sshll.u32 s17, $0x7  }
0xe1: {  	s17 =	sor.u32 s26, s17  }
0xe2: {  	v7 =	vld [tilespmem:s17+$0x12000]  }
0xe3: {  	v8 =	vld [tilespmem:s17+$0x13000];
	_ =	sdelay $0x2  }
0xe4: {  	v9 =	vor.u32 s2, v0  }
0xe5: {  	v9 =	vcvt.s32.f32 v9;
	v7 =	vmul.f32 $6.400000000e+01, v7  }
0xe6: {  	v8 =	vmul.f32 $6.400000000e+01, v8  }
0xe7: {  	v7 =	vadd.f32 v9, v7  }
0xe8: {  	v8 =	vadd.f32 v8, v6  }
0xe9: {  	v9 =	vmax.f32 v7, $-1.000000000e+00  }
0xea: {  	v10 =	vmax.f32 v8, $-1.000000000e+00;
	v9 =	vmin.f32 v9, $5.120000000e+02  }
0xeb: {  	v10 =	vmin.f32 v10, $3.000000000e+00;
	v11 =	vtrunc.f32 v9  }
0xec: {  	v12 =	vtrunc.f32 v10;
	v11 =	vcvt.f32.s32 v11  }
0xed: {  	v12 =	vcvt.f32.s32 v12  }
0xee: {  	v11 =	vcvt.s32.f32 v11  }
0xef: {  	v12 =	vcvt.s32.f32 v12  }
0xf0: {  	v13 =	vadd.f32 $-1.000000000e+00, v11  }
0xf1: {  	v14 =	vadd.f32 $-1.000000000e+00, v12;
	vm1 =	vlt.f32 v9, v11  }
0xf2: {  	vm2 =	vge.f32 v8, $0.0e+00;
	vm3 =	vlt.f32 v10, v12;
	v9 =	vsel vm1, v13, v11  }
0xf3: {  	v10 =	vsel vm3, v14, v12;
	v11 =	vmax.f32 v9, $0.0e+00;
	v9 =	vadd.f32 $1.000000000e+00, v9  }
0xf4: {  	v12 =	vmax.f32 v10, $0.0e+00;
	v10 =	vadd.f32 $1.000000000e+00, v10;
	v11 =	vmin.f32 v11, $5.110000000e+02  }
0xf5: {  	v15 =	vmin.f32 v12, $2.000000000e+00;
	v9 =	vmax.f32 v9, $0.0e+00;
	v12 =	vtrunc.f32 v11  }
0xf6: {  	v13 =	vtrunc.f32 v15;
	v10 =	vmax.f32 v10, $0.0e+00;
	v9 =	vmin.f32 v9, $5.110000000e+02  }
0xf7: {  	v12 =	vcvt.f32.s32 v12;
	v17 =	vmin.f32 v10, $2.000000000e+00;
	v10 =	vcvt.f32.s32 v13  }
0xf8: {  	vm1 =	vlt.f32 v8, $2.000000000e+00;
	v13 =	vtrunc.f32 v9;
	v14 =	vtrunc.f32 v17  }
0xf9: {  	v16 =	vadd.s32 v12, v2;
	v18 =	vshll.u32 v10, $0xC;
	v10 =	vcvt.f32.s32 v14  }
0xfa: {  	s26 =	simm.s32 $0x1;
	vm3 =	vmand vm2, vm1;
	v13 =	vcvt.f32.s32 v13;
	v14 =	vadd.s32 v18, v16  }
0xfb: {  	s2 =	sand.u32 $0x18, s26;
	v12 =	vand.u32 $0x7F, v12;
	v14 =	vand.u32 $0xFFFFFF80, v14;
	v19 =	vshll.u32 v10, $0xC  }
0xfc: {  	s28 =	simm.s32 $0x10;
	s2 =	sadd.s32 s9, s2;
	v10 =	vor.u32 v12, v14;
	v14 =	vadd.s32 v13, v2;
	v16 =	vadd.s32 v16, v19  }
0xfd: {  	s29 =	sand.u32 $0x70, s28;
	s2 =	sshll.u32 s2, $0x7;
	v18 =	vadd.s32 v18, v14;
	v19 =	vadd.s32 v19, v14;
	v14 =	vand.u32 $0xFFFFFF80, v16  }
0xfe: {  	s2 =	sor.u32 s29, s2;
	v13 =	vand.u32 $0x7F, v13;
	v14 =	vor.u32 v12, v14;
	v12 =	vand.u32 $0xFFFFFF80, v18  }
0xff: {  	v18 =	vld [tilespmem:s2+$0x12000];
	v16 =	vor.u32 v13, v12;
	v12 =	vand.u32 $0xFFFFFF80, v19  }
0x100: {  	v13 =	vor.u32 v13, v12;
	v12 =	vld [tilespmem:s2+$0x13000]  }
0x101: {  	v23 =	vadd.s32 s13, v3;
	v21 =	vadd.s32 s13, v1  }
0x102: {  	v22 =	vshrl.u32 v21, $0x2;
	v26 =	vand.u32 $0x7FFFF07F, v21;
	v21 =	vshll.u32 v21, $0x3;
	v20 =	vld.idx.msk [tilespmem:v10+s20+$0x0], vm3  }
0x103: {  	v27 =	vshrl.u32 v23, $0x2;
	v21 =	vand.u32 $0xC00, v21;
	s17 =	simm.s32 $0x20;
	v19 =	vor.u32 s28, v0;
	v24 =	vld.idx.msk [tilespmem:v14+s20+$0x0], vm3  }
0x104: {  	v57 =	vor.u32 s17, v0;
	v19 =	vcvt.s32.f32 v19;
	s2 =	sadd.s32 $0x30, s13;
	v18 =	vmul.f32 $6.400000000e+01, v18;
	v25 =	vld.idx.msk [tilespmem:v16+s20+$0x0], vm3  }
0x105: {  	vm1 =	vmmov vm3;
	v33 =	vadd.s32 s2, v1;
	v28 =	vld.idx.msk [tilespmem:v13+s20+$0x0], vm3;
	v29 =	vmul.f32 $6.400000000e+01, v12  }
0x106: {  	v12 =	vadd.f32 v19, v18;
	v18 =	vand.u32 $0x380, v22;
	v19 =	vsub.f32 v9, v7  }
0x107: {  	s26 =	simm.s32 $0x2;
	v22 =	vsub.f32 v7, v11;
	v7 =	vor.u32 v21, v26;
	v21 =	vsub.f32 v8, v15  }
0x108: {  	s28 =	sand.u32 $0x18, s26;
	v7 =	vor.u32 v18, v7;
	v11 =	vadd.f32 v29, v6;
	v9 =	vmax.f32 v12, $-1.000000000e+00  }
0x109: {  	s29 =	sadd.s32 s9, s28;
	v18 =	vmul.f32 v19, v20;
	v20 =	vsub.f32 v17, v8;
	v25 =	vmul.f32 v22, v25  }
0x10a: {  	s28 =	sand.u32 $0x70, s17;
	s26 =	sshll.u32 s29, $0x7;
	v24 =	vmul.f32 v19, v24;
	v26 =	vmul.f32 v22, v28;
	v28 =	vmax.f32 v11, $-1.000000000e+00  }
0x10b: {  	s26 =	sor.u32 s28, s26;
	v9 =	vmin.f32 v9, $5.120000000e+02;
	v8 =	vmin.f32 v28, $3.000000000e+00;
	v15 =	vadd.f32 v18, v25  }
0x10c: {  	v35 =	vld [tilespmem:s26+$0x12000];
	v18 =	vtrunc.f32 v9;
	v17 =	vadd.f32 v24, v26;
	v24 =	vtrunc.f32 v8  }
0x10d: {  	v36 =	vand.u32 $0x7FFFF07F, v33;
	v18 =	vcvt.f32.s32 v18;
	v15 =	vmul.f32 v15, v20  }
0x10e: {  	vm2 =	vge.f32 v11, $0.0e+00;
	v24 =	vcvt.f32.s32 v24;
	v17 =	vmul.f32 v17, v21  }
0x10f: {  	vm4 =	vlt.f32 v11, $2.000000000e+00;
	v25 =	vand.u32 $0x7FFFF07F, v23;
	v23 =	vshll.u32 v23, $0x3  }
0x110: {  	v18 =	vcvt.s32.f32 v18;
	v24 =	vcvt.s32.f32 v24;
	v15 =	vadd.f32 v17, v15  }
0x111: {  	v59 =	vmul.f32 $6.400000000e+01, v35;
	vm2 =	vmand vm2, vm4;
	v17 =	vand.u32 $0xC00, v23  }
0x112: {  	v23 =	vand.u32 $0x380, v27;
	[tilespmem:v7+s21+$0x0] =	vst.idx.msk vm3, v15;
	v7 =	vadd.f32 $-1.000000000e+00, v18;
	v15 =	vadd.f32 $-1.000000000e+00, v24  }
0x113: {  	vm5 =	vlt.f32 v9, v18;
	v17 =	vor.u32 v17, v25;
	vm6 =	vlt.f32 v8, v24;
	v25 =	vld.idx.msk [tilespmem:v10+s22+$0x0], vm3  }
0x114: {  	v17 =	vor.u32 v23, v17;
	v8 =	vld.idx.msk [tilespmem:v14+s22+$0x0], vm3;
	v7 =	vsel vm5, v7, v18;
	v9 =	vsel vm6, v15, v24  }
0x115: {  	v26 =	vld.idx.msk [tilespmem:v13+s22+$0x0], vm3;
	v18 =	vmax.f32 v7, $0.0e+00;
	v7 =	vadd.f32 $1.000000000e+00, v7;
	v24 =	vmax.f32 v9, $0.0e+00  }
0x116: {  	v15 =	vld.idx.msk [tilespmem:v16+s22+$0x0], vm3;
	v9 =	vadd.f32 $1.000000000e+00, v9;
	v27 =	vmin.f32 v18, $5.110000000e+02;
	v28 =	vmin.f32 v24, $2.000000000e+00  }
0x117: {  	v7 =	vmax.f32 v7, $0.0e+00;
	v18 =	vtrunc.f32 v27;
	v24 =	vtrunc.f32 v28  }
0x118: {  	v29 =	vmin.f32 v7, $5.110000000e+02;
	v7 =	vmax.f32 v9, $0.0e+00;
	v9 =	vcvt.f32.s32 v18  }
0x119: {  	v23 =	vadd.s32 s13, v4;
	v18 =	vcvt.f32.s32 v24;
	v25 =	vmul.f32 v19, v25  }
0x11a: {  	v8 =	vmul.f32 v19, v8;
	v26 =	vmul.f32 v22, v26;
	v30 =	vmin.f32 v7, $2.000000000e+00  }
0x11b: {  	v7 =	vtrunc.f32 v29;
	v15 =	vmul.f32 v22, v15;
	v24 =	vadd.s32 v9, v2  }
0x11c: {  	v18 =	vshll.u32 v18, $0xC;
	v31 =	vtrunc.f32 v30;
	v9 =	vand.u32 $0x7F, v9  }
0x11d: {  	v8 =	vadd.f32 v8, v26;
	v25 =	vadd.f32 v25, v15;
	v31 =	vcvt.f32.s32 v31  }
0x11e: {  	v26 =	vcvt.f32.s32 v7;
	v32 =	vadd.s32 v18, v24;
	v15 =	vadd.s32 s2, v3  }
0x11f: {  	v8 =	vmul.f32 v8, v21;
	v25 =	vmul.f32 v25, v20;
	v31 =	vshll.u32 v31, $0xC  }
0x120: {  	v32 =	vand.u32 $0xFFFFFF80, v32;
	v34 =	vadd.s32 v26, v2;
	v24 =	vadd.s32 v24, v31  }
0x121: {  	v7 =	vor.u32 v9, v32;
	v25 =	vadd.f32 v8, v25;
	v8 =	vand.u32 $0xFFFFFF80, v24  }
0x122: {  	v18 =	vadd.s32 v18, v34;
	v31 =	vadd.s32 v31, v34;
	v8 =	vor.u32 v9, v8  }
0x123: {  	v24 =	vld [tilespmem:s26+$0x13000];
	v9 =	vand.u32 $0xFFFFFF80, v18;
	v18 =	vand.u32 $0x7F, v26;
	[tilespmem:v17+s21+$0x0] =	vst.idx.msk vm1, v25;
	v17 =	vand.u32 $0xFFFFFF80, v31  }
0x124: {  	v9 =	vor.u32 v18, v9;
	v25 =	vshrl.u32 v23, $0x2;
	v31 =	vld.idx.msk [tilespmem:v10+s23+$0x0], vm1;
	v10 =	vor.u32 v18, v17  }
0x125: {  	v17 =	vshll.u32 v23, $0x3;
	v23 =	vand.u32 $0x7FFFF07F, v23;
	v58 =	vld.idx.msk [tilespmem:v14+s23+$0x0], vm1;
	v14 =	vshrl.u32 v33, $0x2  }
0x126: {  	v18 =	vshrl.u32 v15, $0x2;
	v37 =	vld.idx.msk [tilespmem:v16+s23+$0x0], vm1;
	v16 =	vcvt.s32.f32 v57;
	v33 =	vshll.u32 v33, $0x3  }
0x127: {  	v60 =	vld.idx.msk [tilespmem:v13+s23+$0x0], vm1;
	v25 =	vand.u32 $0x380, v25;
	v13 =	vand.u32 $0xC00, v33;
	v17 =	vand.u32 $0xC00, v17  }
0x128: {  	v26 =	vld.idx.msk [tilespmem:v7+s20+$0x0], vm2;
	v24 =	vmul.f32 $6.400000000e+01, v24;
	v16 =	vadd.f32 v16, v59;
	v17 =	vor.u32 v17, v23  }
0x129: {  	v23 =	vand.u32 $0x380, v14;
	v13 =	vor.u32 v13, v36;
	v61 =	vld.idx.msk [tilespmem:v8+s20+$0x0], vm2;
	v17 =	vor.u32 v25, v17  }
0x12a: {  	v23 =	vor.u32 v23, v13;
	v13 =	vsub.f32 v29, v12;
	v12 =	vsub.f32 v12, v27;
	v62 =	vld.idx.msk [tilespmem:v9+s20+$0x0], vm2  }
0x12b: {  	v14 =	vadd.f32 v24, v6;
	v63 =	vld.idx.msk [tilespmem:v10+s20+$0x0], vm2;
	v31 =	vmul.f32 v19, v31;
	v37 =	vmul.f32 v37, v22  }
0x12c: {  	v24 =	vmax.f32 v16, $-1.000000000e+00;
	v19 =	vmul.f32 v58, v19;
	v22 =	vmul.f32 v60, v22  }
0x12d: {  	v25 =	vmin.f32 v24, $5.120000000e+02;
	v24 =	vmul.f32 v13, v26;
	v31 =	vadd.f32 v37, v31  }
0x12e: {  	v29 =	vmax.f32 v14, $-1.000000000e+00;
	v22 =	vadd.f32 v22, v19;
	v27 =	vmul.f32 v13, v61  }
0x12f: {  	v19 =	vsub.f32 v11, v28;
	v26 =	vmul.f32 v12, v62;
	v20 =	vmul.f32 v31, v20  }
0x130: {  	[smem:$0x0] =	sst s16;
	s26 =	simm.s32 $0x3;
	v11 =	vsub.f32 v30, v11;
	v22 =	vmul.f32 v22, v21;
	v28 =	vmul.f32 v12, v63  }
.LBB2_14:
0x131: {  	v29 =	vmin.f32 v29, $3.000000000e+00  }
0x132: {  	p1 =	sne.s32 s26, $0x1F;
	v24 =	vadd.f32 v24, v26;
	v26 =	vadd.f32 v27, v28;
	v21 =	vmovc v19;
	vm3 =	vmmov vm2  }
0x133: {  	v19 =	vtrunc.f32 v25;
	v27 =	vtrunc.f32 v29;
	v20 =	vadd.f32 v22, v20  }
0x134: {  	v22 =	vmul.f32 v24, v11;
	v24 =	vmul.f32 v26, v21;
	v26 =	vand.u32 $0x7FFFF07F, v15  }
0x135: {  	v19 =	vcvt.f32.s32 v19;
	v27 =	vcvt.f32.s32 v27;
	v15 =	vshll.u32 v15, $0x3;
	[tilespmem:v17+s21+$0x0] =	vst.idx.msk vm1, v20  }
0x136: {  	v18 =	vand.u32 $0x380, v18;
	v15 =	vand.u32 $0xC00, v15;
	v17 =	vadd.f32 v24, v22  }
0x137: {  	v19 =	vcvt.s32.f32 v19;
	v20 =	vcvt.s32.f32 v27;
	v15 =	vor.u32 v15, v26  }
0x138: {  	vm1 =	vmmov vm2;
	[tilespmem:v23+s21+$0x0] =	vst.idx.msk vm2, v17;
	v17 =	vor.u32 v18, v15;
	v18 =	vadd.s32 s2, v4  }
0x139: {  	vm4 =	vge.f32 v14, $0.0e+00;
	v15 =	vadd.f32 $-1.000000000e+00, v19;
	v22 =	vadd.f32 $-1.000000000e+00, v20;
	v23 =	vld.idx.msk [tilespmem:v7+s22+$0x0], vm2  }
0x13a: {  	vm5 =	vlt.f32 v14, $2.000000000e+00;
	vm6 =	vlt.f32 v25, v19;
	vm7 =	vlt.f32 v29, v20;
	v24 =	vld.idx.msk [tilespmem:v8+s22+$0x0], vm2  }
0x13b: {  	v15 =	vsel vm6, v15, v19;
	v19 =	vsel vm7, v22, v20;
	v20 =	vld.idx.msk [tilespmem:v9+s22+$0x0], vm2;
	vm2 =	vmand vm4, vm5  }
0x13c: {  	v22 =	vmax.f32 v15, $0.0e+00;
	v15 =	vadd.f32 $1.000000000e+00, v15;
	v25 =	vmax.f32 v19, $0.0e+00;
	v26 =	vld.idx.msk [tilespmem:v10+s22+$0x0], vm3  }
0x13d: {  	v19 =	vadd.f32 $1.000000000e+00, v19;
	v22 =	vmin.f32 v22, $5.110000000e+02;
	v27 =	vmin.f32 v25, $2.000000000e+00  }
0x13e: {  	v15 =	vmax.f32 v15, $0.0e+00;
	v25 =	vtrunc.f32 v22;
	v28 =	vtrunc.f32 v27  }
0x13f: {  	v29 =	vmin.f32 v15, $5.110000000e+02;
	v15 =	vmax.f32 v19, $0.0e+00;
	v19 =	vcvt.f32.s32 v25  }
0x140: {  	v25 =	vcvt.f32.s32 v28;
	v30 =	vmin.f32 v15, $2.000000000e+00;
	v15 =	vtrunc.f32 v29  }
0x141: {  	v23 =	vmul.f32 v13, v23;
	v28 =	vadd.s32 v19, v2;
	v20 =	vmul.f32 v12, v20  }
0x142: {  	v24 =	vmul.f32 v13, v24;
	v25 =	vshll.u32 v25, $0xC;
	v26 =	vmul.f32 v12, v26  }
0x143: {  	v31 =	vtrunc.f32 v30;
	v19 =	vand.u32 $0x7F, v19;
	v32 =	vadd.s32 v25, v28  }
0x144: {  	s28 =	sand.u32 $0x18, s26;
	v32 =	vand.u32 $0xFFFFFF80, v32;
	v20 =	vadd.f32 v23, v20;
	v23 =	vadd.f32 v24, v26  }
0x145: {  	s17 =	sadd.s32 $0x10, s17;
	s28 =	sadd.s32 s9, s28;
	s2 =	sadd.s32 $0x30, s2;
	v24 =	vcvt.f32.s32 v15;
	v26 =	vcvt.f32.s32 v31;
	v31 =	vor.u32 v19, v32  }
0x146: {  	s29 =	sand.u32 $0x70, s17;
	s28 =	sshll.u32 s28, $0x7;
	v15 =	vadd.s32 s2, v3;
	v20 =	vmul.f32 v20, v11;
	v23 =	vmul.f32 v23, v21  }
0x147: {  	s28 =	sor.u32 s29, s28;
	v33 =	vadd.s32 s2, v1;
	v32 =	vor.u32 s17, v0;
	v26 =	vshll.u32 v26, $0xC  }
0x148: {  	v35 =	vadd.s32 v24, v2;
	v28 =	vadd.s32 v28, v26;
	v20 =	vadd.f32 v23, v20;
	v34 =	vld [tilespmem:s28+$0x13000]  }
0x149: {  	v25 =	vadd.s32 v25, v35;
	v26 =	vadd.s32 v26, v35;
	v28 =	vand.u32 $0xFFFFFF80, v28;
	v23 =	vld [tilespmem:s28+$0x12000]  }
0x14a: {  	v24 =	vand.u32 $0x7F, v24;
	v25 =	vand.u32 $0xFFFFFF80, v25;
	v19 =	vor.u32 v19, v28;
	v35 =	vld.idx.msk [tilespmem:v31+s20+$0x0], vm2;
	[tilespmem:v17+s21+$0x0] =	vst.idx.msk vm1, v20  }
0x14b: {  	v17 =	vor.u32 v24, v25;
	v20 =	vand.u32 $0xFFFFFF80, v26;
	v26 =	vshrl.u32 v18, $0x2;
	v25 =	vld.idx.msk [tilespmem:v7+s23+$0x0], vm1;
	v7 =	vmovc v31  }
0x14c: {  	v28 =	vshll.u32 v18, $0x3;
	v20 =	vor.u32 v24, v20;
	v31 =	vand.u32 $0x7FFFF07F, v18;
	v24 =	vld.idx.msk [tilespmem:v8+s23+$0x0], vm1;
	v8 =	vmovc v19  }
0x14d: {  	v36 =	vshrl.u32 v33, $0x2;
	v37 =	vand.u32 $0x7FFFF07F, v33;
	v18 =	vshrl.u32 v15, $0x2;
	v38 =	vld.idx.msk [tilespmem:v9+s23+$0x0], vm1;
	v9 =	vmovc v17  }
0x14e: {  	v33 =	vshll.u32 v33, $0x3;
	v32 =	vcvt.s32.f32 v32;
	v23 =	vmul.f32 $6.400000000e+01, v23;
	v39 =	vld.idx.msk [tilespmem:v10+s23+$0x0], vm1;
	v10 =	vmovc v20  }
0x14f: {  	v28 =	vand.u32 $0xC00, v28;
	v26 =	vand.u32 $0x380, v26;
	v40 =	vld.idx.msk [tilespmem:v19+s20+$0x0], vm2;
	v19 =	vand.u32 $0xC00, v33  }
0x150: {  	v33 =	vmul.f32 $6.400000000e+01, v34;
	v32 =	vadd.f32 v32, v23;
	v34 =	vld.idx.msk [tilespmem:v17+s20+$0x0], vm2;
	v17 =	vor.u32 v28, v31  }
0x151: {  	v23 =	vand.u32 $0x380, v36;
	v19 =	vor.u32 v19, v37;
	v20 =	vld.idx.msk [tilespmem:v20+s20+$0x0], vm2;
	v17 =	vor.u32 v26, v17  }
0x152: {  	v31 =	vadd.f32 v33, v6;
	v23 =	vor.u32 v23, v19;
	v26 =	vmax.f32 v32, $-1.000000000e+00  }
0x153: {  	v28 =	vmul.f32 v13, v25;
	v19 =	vsub.f32 v29, v16;
	v33 =	vmul.f32 v38, v12  }
.Ltmp12:
0x154: {  	v36 =	vmul.f32 v24, v13;
	v37 =	vmul.f32 v39, v12;
	v12 =	vsub.f32 v16, v22;
	v16 =	vmovc v32;
	(pc) =	sbr.rel @p1 .LBB2_14-.Ltmp12, $4  }
0x155: {  	v25 =	vmin.f32 v26, $5.120000000e+02;
	v29 =	vmax.f32 v31, $-1.000000000e+00;
	v24 =	vmul.f32 v19, v35;
	v13 =	vmovc v19  }
0x156: {  	v22 =	vadd.f32 v33, v28;
	v26 =	vmul.f32 v12, v34;
	v32 =	vadd.f32 v37, v36  }
0x157: {  	v19 =	vsub.f32 v14, v27;
	v27 =	vmul.f32 v13, v40;
	v28 =	vmul.f32 v12, v20  }
0x158: {  	s26 =	sadd.s32 $0x1, s26;
	v20 =	vmul.f32 v22, v11;
	v11 =	vsub.f32 v30, v14;
	v14 =	vmovc v31;
	v22 =	vmul.f32 v32, v21  }
0x159: {  	v6 =	vmin.f32 v29, $3.000000000e+00;
	v21 =	vtrunc.f32 v25  }
0x15a: {  	v29 =	vtrunc.f32 v6;
	v21 =	vcvt.f32.s32 v21  }
0x15b: {  	v29 =	vcvt.f32.s32 v29  }
0x15c: {  	v21 =	vcvt.s32.f32 v21  }
0x15d: {  	v29 =	vcvt.s32.f32 v29  }
0x15e: {  	v30 =	vadd.f32 $-1.000000000e+00, v21  }
0x15f: {  	vm3 =	vlt.f32 v25, v21;
	v31 =	vadd.f32 $-1.000000000e+00, v29  }
0x160: {  	vm4 =	vge.f32 v14, $0.0e+00;
	vm5 =	vlt.f32 v6, v29;
	v6 =	vsel vm3, v30, v21  }
0x161: {  	vm3 =	vlt.f32 v14, $2.000000000e+00;
	v40 =	vsel vm5, v31, v29;
	v41 =	vmax.f32 v6, $0.0e+00  }
0x162: {  	v6 =	vadd.f32 $1.000000000e+00, v6;
	vm4 =	vmand vm4, vm3;
	v29 =	vmax.f32 v40, $0.0e+00  }
0x163: {  	v25 =	vmin.f32 v41, $5.110000000e+02;
	v21 =	vadd.f32 $1.000000000e+00, v40;
	v29 =	vmin.f32 v29, $2.000000000e+00  }
0x164: {  	v6 =	vmax.f32 v6, $0.0e+00;
	v42 =	vtrunc.f32 v25;
	v43 =	vtrunc.f32 v29  }
0x165: {  	v6 =	vmin.f32 v6, $5.110000000e+02;
	v21 =	vmax.f32 v21, $0.0e+00;
	v30 =	vcvt.f32.s32 v42  }
0x166: {  	v21 =	vmin.f32 v21, $2.000000000e+00;
	v31 =	vcvt.f32.s32 v43;
	v32 =	vtrunc.f32 v6  }
0x167: {  	v33 =	vtrunc.f32 v21;
	v34 =	vadd.s32 v30, v2;
	v32 =	vcvt.f32.s32 v32  }
0x168: {  	v30 =	vand.u32 $0x7F, v30;
	v31 =	vshll.u32 v31, $0xC;
	v33 =	vcvt.f32.s32 v33  }
0x169: {  	v35 =	vadd.s32 v31, v34;
	v36 =	vadd.s32 v32, v2;
	v32 =	vand.u32 $0x7F, v32  }
0x16a: {  	v35 =	vand.u32 $0xFFFFFF80, v35;
	v33 =	vshll.u32 v33, $0xC;
	v31 =	vadd.s32 v31, v36  }
0x16b: {  	v35 =	vor.u32 v30, v35;
	v34 =	vadd.s32 v34, v33;
	v31 =	vand.u32 $0xFFFFFF80, v31  }
0x16c: {  	v33 =	vadd.s32 v33, v36;
	v34 =	vand.u32 $0xFFFFFF80, v34;
	v31 =	vor.u32 v32, v31  }
0x16d: {  	v33 =	vand.u32 $0xFFFFFF80, v33;
	v30 =	vor.u32 v30, v34  }
0x16e: {  	v32 =	vor.u32 v32, v33;
	_ =	sdelay $0x1  }
0x16f: {  	v45 =	vld.idx.msk [tilespmem:v35+s20+$0x0], vm4  }
0x170: {  	v47 =	vld.idx.msk [tilespmem:v31+s20+$0x0], vm4  }
0x171: {  	v24 =	vadd.f32 v24, v26;
	v44 =	vadd.f32 v27, v28;
	v46 =	vld.idx.msk [tilespmem:v30+s20+$0x0], vm4  }
0x172: {  	s17 =	sadd.s32 $0x30, s2;
	v48 =	vld.idx.msk [tilespmem:v32+s20+$0x0], vm4  }
0x173: {  	v49 =	vadd.s32 s17, v1;
	v24 =	vmul.f32 v24, v11;
	v26 =	vmul.f32 v44, v19  }
0x174: {  	v51 =	vshll.u32 v49, $0x3;
	v6 =	vsub.f32 v6, v16;
	v16 =	vsub.f32 v16, v25  }
0x175: {  	v50 =	vand.u32 $0x7FFFF07F, v49;
	v52 =	vand.u32 $0xC00, v51  }
0x176: {  	v24 =	vadd.f32 v26, v24;
	v53 =	vmul.f32 v6, v45;
	v54 =	vmul.f32 v16, v47  }
0x177: {  	v26 =	vshrl.u32 v49, $0x2;
	v55 =	vmul.f32 v6, v46;
	v56 =	vmul.f32 v16, v48  }
0x178: {  	v26 =	vand.u32 $0x380, v26;
	[tilespmem:v23+s21+$0x0] =	vst.idx.msk vm2, v24;
	v29 =	vsub.f32 v14, v29;
	v14 =	vsub.f32 v21, v14  }
0x179: {  	v23 =	vor.u32 v52, v50;
	v24 =	vadd.f32 v53, v54;
	v25 =	vadd.f32 v55, v56  }
0x17a: {  	v57 =	vld.idx.msk [tilespmem:v7+s22+$0x0], vm2;
	v23 =	vor.u32 v26, v23  }
0x17b: {  	v58 =	vld.idx.msk [tilespmem:v8+s22+$0x0], vm2;
	v24 =	vmul.f32 v24, v14;
	v25 =	vmul.f32 v25, v29  }
0x17c: {  	v59 =	vld.idx.msk [tilespmem:v9+s22+$0x0], vm2  }
0x17d: {  	v60 =	vld.idx.msk [tilespmem:v10+s22+$0x0], vm2;
	v24 =	vadd.f32 v25, v24;
	_ =	sdelay $0x1  }
0x17e: {  	[tilespmem:v23+s21+$0x0] =	vst.idx.msk vm4, v24  }
0x17f: {  	v33 =	vld.idx.msk [tilespmem:v35+s22+$0x0], vm4  }
0x180: {  	v61 =	vmul.f32 v12, v59;
	v62 =	vmul.f32 v13, v58;
	v34 =	vld.idx.msk [tilespmem:v30+s22+$0x0], vm4  }
0x181: {  	v38 =	vshll.u32 v15, $0x3;
	v63 =	vmul.f32 v12, v60;
	v21 =	vmul.f32 v13, v57;
	v36 =	vld.idx.msk [tilespmem:v31+s22+$0x0], vm4  }
0x182: {  	v37 =	vand.u32 $0x7FFFF07F, v15;
	v18 =	vand.u32 $0x380, v18;
	v15 =	vand.u32 $0xC00, v38;
	v39 =	vld.idx.msk [tilespmem:v32+s22+$0x0], vm4  }
0x183: {  	v15 =	vor.u32 v15, v37;
	v21 =	vadd.f32 v21, v61;
	v23 =	vadd.f32 v62, v63  }
0x184: {  	v15 =	vor.u32 v18, v15;
	vm3 =	vmmov vm2;
	v40 =	vadd.s32 s17, v3  }
0x185: {  	v18 =	vand.u32 $0x7FFFF07F, v40;
	v21 =	vmul.f32 v21, v11;
	v23 =	vmul.f32 v23, v19  }
0x186: {  	v43 =	vshll.u32 v40, $0x3;
	v42 =	vmul.f32 v6, v33;
	v24 =	vmul.f32 v16, v36  }
0x187: {  	v26 =	vand.u32 $0xC00, v43;
	v27 =	vmul.f32 v6, v34;
	v28 =	vmul.f32 v16, v39  }
0x188: {  	v41 =	vshrl.u32 v40, $0x2;
	v18 =	vor.u32 v26, v18;
	v21 =	vadd.f32 v23, v21  }
0x189: {  	v23 =	vand.u32 $0x380, v41;
	v24 =	vadd.f32 v42, v24;
	v44 =	vadd.f32 v27, v28  }
0x18a: {  	v18 =	vor.u32 v23, v18  }
0x18b: {  	[tilespmem:v15+s21+$0x0] =	vst.idx.msk vm3, v21;
	v45 =	vmul.f32 v24, v14;
	v46 =	vmul.f32 v44, v29  }
0x18c: {  	v7 =	vld.idx.msk [tilespmem:v7+s23+$0x0], vm3  }
0x18d: {  	vm2 =	vmmov vm4;
	v47 =	vld.idx.msk [tilespmem:v8+s23+$0x0], vm3;
	v15 =	vadd.f32 v46, v45  }
0x18e: {  	v48 =	vld.idx.msk [tilespmem:v9+s23+$0x0], vm3  }
0x18f: {  	v49 =	vld.idx.msk [tilespmem:v10+s23+$0x0], vm3;
	[tilespmem:v18+s21+$0x0] =	vst.idx.msk vm4, v15  }
0x190: {  	v18 =	vld.idx.msk [tilespmem:v35+s23+$0x0], vm4  }
0x191: {  	v50 =	vadd.s32 s2, v4;
	v52 =	vld.idx.msk [tilespmem:v30+s23+$0x0], vm4  }
0x192: {  	v51 =	vshll.u32 v50, $0x3;
	v57 =	vadd.s32 s17, v4;
	v54 =	vld.idx.msk [tilespmem:v31+s23+$0x0], vm4  }
0x193: {  	v58 =	vshrl.u32 v57, $0x2;
	v7 =	vmul.f32 v13, v7;
	v9 =	vmul.f32 v48, v12;
	v55 =	vld.idx.msk [tilespmem:v32+s23+$0x0], vm2  }
0x194: {  	v53 =	vshrl.u32 v50, $0x2;
	v8 =	vmul.f32 v47, v13;
	v10 =	vmul.f32 v49, v12  }
0x195: {  	v61 =	vshll.u32 v57, $0x3;
	v21 =	vand.u32 $0xC00, v51;
	v24 =	vand.u32 $0x380, v53  }
0x196: {  	v15 =	vand.u32 $0x7FFFF07F, v50;
	v7 =	vadd.f32 v9, v7;
	v8 =	vadd.f32 v10, v8  }
0x197: {  	v9 =	vand.u32 $0x7FFFF07F, v57;
	v59 =	vmul.f32 v6, v18;
	v60 =	vmul.f32 v54, v16  }
0x198: {  	v15 =	vor.u32 v21, v15;
	v6 =	vmul.f32 v52, v6;
	v16 =	vmul.f32 v55, v16  }
0x199: {  	v10 =	vand.u32 $0x380, v58;
	v56 =	vor.u32 v24, v15;
	v18 =	vand.u32 $0xC00, v61  }
0x19a: {  	v9 =	vor.u32 v18, v9;
	v13 =	vadd.f32 v60, v59;
	v6 =	vadd.f32 v16, v6  }
0x19b: {  	v7 =	vmul.f32 v7, v11;
	v8 =	vmul.f32 v8, v19;
	v9 =	vor.u32 v10, v9  }
.Ltmp13:
0x19c: {  	v62 =	vadd.f32 v22, v20;
	v63 =	vmul.f32 v13, v14;
	v6 =	vmul.f32 v6, v29;
	(pc) =	sbr.rel .LBB2_16-.Ltmp13, $4  }
0x19d: {  	v7 =	vadd.f32 v8, v7  }
0x19e: {  	[tilespmem:v17+s21+$0x0] =	vst.idx.msk vm1, v62;
	v6 =	vadd.f32 v6, v63  }
0x19f: {  	[tilespmem:v56+s21+$0x0] =	vst.idx.msk vm3, v7  }
0x1a0: {  	s2 =	simm.s32 $0x1;
	[tilespmem:v9+s21+$0x0] =	vst.idx.msk vm2, v6  }
.LBB2_17:
0x1a1: {  	s8 =	smul.u32 $0x3000, s15;
	_ =	sdelay $0x1  }
0x1a2: {  	s8 =	sadd.s32 s12, s8  }
0x1a3: {  	s8 =	sshrl.u32 s8, $0x3  }
0x1a4: {  	p1 =	seq.s32 s30, $0x7;
	s8 =	sadd.s32 s3, s8  }
0x1a5: {  	[hbm4b:s8+s5] =	stream.linear.scatter [tilespmem:s21], [sflag:$0x2], $0x3000, $0x38;
	[tilespmem:$0x1C000] =	vst v63  }
0x1a6: {  	s8 =	sadd.s32 @!p1 s11, s14  }
0x1a7: {  	s8 =	sshll.u32 @!p1 s8, $0xC  }
0x1a8: {  	s8 =	sadd.s32 @!p1 s6, s8  }
0x1a9: {  	s8 =	sshrl.u32 @!p1 s8, $0x3  }
0x1aa: {  	s9 =	simm.s32 @!p1 $0x0;
	s10 =	simm.s32 @!p1 $0x12000;
	s8 =	sadd.s32 @!p1 s1, s8  }
0x1ab: {  	[tilespmem:s10], [sflag:$0x1] =	stream.linear.gather @!p1 [hbm4b:s8+s9], $0x1000, $0x38;
	[tilespmem:$0x1C000] =	vst v63  }
0x1ac: {  	s8 =	sadd.s32 @!p1 $0x8000, s8;
	s10 =	simm.s32 @!p1 $0x13000  }
0x1ad: {  	[tilespmem:s10], [sflag:$0x1] =	stream.linear.gather @!p1 [hbm4b:s8+s9], $0x1000, $0x38;
	[tilespmem:$0x1C000] =	vst v63  }
0x1ae: {  	_ =	swait.ge [sflag:s24], $0x1000  }
0x1af: {  	[sflag:s24] =	ssyncset.done $0x0  }
0x1b0: {  	[sflag:s24] =	ssyncadd.s32 $0xFFFFF000  }
0x1b1: {  	p1 =	seq.s32 s31, $0x0;
	_ =	swait.ge [sflag:s24], $0x1000  }
.Ltmp14:
0x1b2: {  	[sflag:s24] =	ssyncset.done $0x0;
	(pc) =	sbr.rel @p1 .LBB2_22-.Ltmp14, $4  }
0x1b3: {  	s8 =	simm.s32 @!p0 $0x4;
	[sflag:s24] =	ssyncadd.s32 $0xFFFFF000  }
0x1b4: {  	_ =	swait.ge @!p0 [sflag:s8], $0x3000  }
0x1b5: {  	[sflag:s8] =	ssyncset.done @!p0 $0x0  }
0x1b6: {  	s9 =	simm.s32 $0x0;
	[sflag:s8] =	ssyncadd.s32 @!p0 $0xFFFFD000;
	s8 =	simm.s32 $0x0  }
.LBB2_18:
0x1b7: {  	s13 =	sshll.u32 s9, $0x7  }
0x1b8: {  	s10 =	sshll.u32 s9, $0x9;
	s14 =	sand.u32 $0x380, s13  }
0x1b9: {  	s10 =	sand.u32 $0x3000, s10;
	v6 =	vmov s14  }
0x1ba: {  	s15 =	sand.u32 $0xC00, s8;
	s10 =	sadd.s32 $0x19000, s10  }
0x1bb: {  	s17 =	sand.u32 $0x40, s8;
	s13 =	simm.s32 $0x0;
	s15 =	sadd.s32 s15, s10  }
0x1bc: {  	s14 =	sadd.s32 s17, s15;
	s15 =	simm.s32 $0x0;
	s17 =	simm.s32 $0x0  }
.LBB2_19:
0x1bd: {  	s13 =	sadd.s32 $0x4, s13  }
0x1be: {  	[tilespmem:v6+s14+$0x30 ss:$0x1] =	vst.idx.msk $0xffff, v5;
	s15 =	sadd.s32 $0x200, s15;
	s17 =	sadd.s32 $0x40, s17;
	p0 =	slt.u32 s13, $0x1C  }
.Ltmp15:
0x1bf: {  	[tilespmem:v6+s14+$0x20 ss:$0x1] =	vst.idx.msk $0xffff, v5;
	(pc) =	sbr.rel @p0 .LBB2_19-.Ltmp15, $4  }
0x1c0: {  	[tilespmem:v6+s14+$0x0 ss:$0x1] =	vst.idx.msk $0xffff, v5  }
0x1c1: {  	s26 =	sand.u32 $0xC00, s15;
	[tilespmem:v6+s14+$0x10 ss:$0x1] =	vst.idx.msk $0xffff, v5  }
0x1c2: {  	s26 =	sadd.s32 s26, s10;
	s14 =	sand.u32 $0x40, s17  }
0x1c3: {  	s14 =	sadd.s32 s14, s26  }
0x1c4: {  	_ = 	snop  }
0x1c5: {  	s9 =	sadd.s32 $0x1, s9  }
0x1c6: {  	p0 =	sne.s32 s9, $0x18  }
.Ltmp16:
0x1c7: {  	_ = 	snop;
	(pc) =	sbr.rel @p0 .LBB2_18-.Ltmp16, $4  }
0x1c8: {  	[tilespmem:v6+s14+$0x30 ss:$0x1] =	vst.idx.msk $0xffff, v5  }
0x1c9: {  	[tilespmem:v6+s14+$0x20 ss:$0x1] =	vst.idx.msk $0xffff, v5  }
0x1ca: {  	[tilespmem:v6+s14+$0x0 ss:$0x1] =	vst.idx.msk $0xffff, v5  }
0x1cb: {  	[tilespmem:v6+s14+$0x10 ss:$0x1] =	vst.idx.msk $0xffff, v5  }
0x1cc: {  	[smem:$0x1] =	sst s5  }
.LBB2_22:
.Ltmp17:
0x1cd: {  	(pc) =	sbr.rel .LBB2_23-.Ltmp17, $4  }
0x1ce: {  	_ = 	snop  }
0x1cf: {  	s0 =	sshll.u32 s0, $0x2  }
0x1d0: {  	s10 =	simm.s32 $0x18040;
	s31 =	simm.s32 $0x0;
	s0 =	sor.u32 s4, s0  }
0x1d1: {  	s13 =	simm.s32 $0x0;
	s9 =	simm.s32 $0x0;
	s8 =	sshll.u32 s0, $0x3  }
.LBB2_29:
0x1d2: {  	s9 =	sadd.s32 $0x1, s9  }
0x1d3: {  	p0 =	sne.s32 s9, $0x8  }
.Ltmp18:
0x1d4: {  	_ = 	snop;
	(pc) =	sbr.rel @!p0 .LBB2_30-.Ltmp18, $2  }
0x1d5: {  	_ =	sdelay $0x2  }
0x1d6: {  	s10 =	sadd.s32 $0x80, s10;
	s13 =	sadd.s32 $0x600, s13  }
.LBB2_23:
0x1d7: {  	v7 =	vld [tilespmem:s10+$0xFFFFFFE0]  }
0x1d8: {  	v8 =	vld [tilespmem:s10+$0x30]  }
0x1d9: {  	v9 =	vld [tilespmem:s10+$0x20]  }
0x1da: {  	v10 =	vld [tilespmem:s10+$0x10]  }
0x1db: {  	s14 =	sadd.s32 s8, s9;
	v11 =	vld [tilespmem:s10+$0x0]  }
0x1dc: {  	v12 =	vld [tilespmem:s10+$0xFFFFFFF0];
	v6 =	vmov s14  }
0x1dd: {  	v13 =	vld [tilespmem:s10+$0xFFFFFFC0];
	v6 =	vcvt.s32.f32 v6  }
0x1de: {  	v14 =	vld [tilespmem:s10+$0xFFFFFFD0]  }
0x1df: {  	v6 =	vbroadcast v6, $0x0  }
0x1e0: {  	v7 =	vmul.f32 $6.400000000e+01, v7;
	v9 =	vmul.f32 $6.400000000e+01, v9  }
0x1e1: {  	v8 =	vmul.f32 $6.400000000e+01, v8;
	v10 =	vmul.f32 $6.400000000e+01, v10  }
0x1e2: {  	v11 =	vmul.f32 $6.400000000e+01, v11;
	v12 =	vmul.f32 $6.400000000e+01, v12;
	v7 =	vadd.f32 v7, v6  }
0x1e3: {  	v13 =	vmul.f32 $6.400000000e+01, v13;
	v14 =	vmul.f32 $6.400000000e+01, v14  }
0x1e4: {  	v8 =	vadd.f32 v8, v6;
	v9 =	vadd.f32 v9, v6;
	vm1 =	vge.f32 v7, $0.0e+00  }
0x1e5: {  	s15 =	sadd.s32 $0x400, s10;
	vm2 =	vlt.f32 v7, $2.000000000e+00;
	v7 =	vadd.f32 v12, v6;
	v12 =	vadd.f32 v13, v6  }
0x1e6: {  	v15 =	vld [tilespmem:s15+$0x10];
	v13 =	vadd.f32 v11, v6;
	v11 =	vadd.f32 v14, v6;
	vm9 =	vlt.f32 v8, $2.000000000e+00  }
0x1e7: {  	v17 =	vld [tilespmem:s15+$0xFFFFFFC0];
	vm10 =	vlt.f32 v9, $2.000000000e+00;
	vm1 =	vmand vm1, vm2;
	vm3 =	vge.f32 v7, $0.0e+00  }
0x1e8: {  	v14 =	vld [tilespmem:s15+$0xFFFFFFE0];
	vm4 =	vlt.f32 v7, $2.000000000e+00;
	v7 =	vadd.f32 v10, v6;
	vm2 =	vmmov vm1  }
0x1e9: {  	v10 =	vld [tilespmem:s15+$0x30];
	vm1 =	vge.f32 v11, $0.0e+00;
	vm5 =	vlt.f32 v11, $2.000000000e+00;
	vm8 =	vlt.f32 v13, $2.000000000e+00  }
0x1ea: {  	v11 =	vld [tilespmem:s15+$0x20];
	vm12 =	vge.f32 v12, $0.0e+00;
	vm6 =	vmand vm1, vm5;
	vm5 =	vmand vm3, vm4  }
0x1eb: {  	v16 =	vld [tilespmem:s15+$0xFFFFFFF0];
	vm3 =	vge.f32 v8, $0.0e+00;
	vm4 =	vge.f32 v9, $0.0e+00;
	vm1 =	vge.f32 v7, $0.0e+00  }
0x1ec: {  	vm7 =	vlt.f32 v7, $2.000000000e+00;
	v7 =	vld [tilespmem:s15+$0x0];
	vm4 =	vmand vm4, vm10;
	vm10 =	vge.f32 v13, $0.0e+00  }
0x1ed: {  	vm3 =	vmand vm3, vm9;
	v13 =	vmul.f32 $6.400000000e+01, v17;
	vm1 =	vmand vm1, vm7  }
0x1ee: {  	v9 =	vld [tilespmem:s15+$0xFFFFFFD0];
	vm7 =	vlt.f32 v12, $2.000000000e+00;
	v14 =	vmul.f32 $6.400000000e+01, v14;
	vm8 =	vmand vm10, vm8  }
0x1ef: {  	vm7 =	vmand vm12, vm7;
	v8 =	vmul.f32 $6.400000000e+01, v11;
	v10 =	vmul.f32 $6.400000000e+01, v10  }
0x1f0: {  	v14 =	vadd.f32 v14, v6;
	v11 =	vmul.f32 $6.400000000e+01, v15;
	vm6 =	vmor vm7, vm6  }
0x1f1: {  	v15 =	vmul.f32 $6.400000000e+01, v7;
	v7 =	vadd.f32 v10, v6;
	v10 =	vmul.f32 $6.400000000e+01, v16  }
0x1f2: {  	vm2 =	vmor vm6, vm2;
	vm11 =	vge.f32 v14, $0.0e+00;
	vm9 =	vlt.f32 v14, $2.000000000e+00  }
0x1f3: {  	v14 =	vmul.f32 $6.400000000e+01, v9;
	vm5 =	vmor vm2, vm5;
	v12 =	vadd.f32 v10, v6  }
0x1f4: {  	vm2 =	vmmov vm0;
	vm9 =	vmand vm11, vm9;
	v10 =	vadd.f32 v13, v6  }
0x1f5: {  	s14 =	simm.s32 $0x8;
	s15 =	sadd.s32 $0x400, s15;
	v9 =	vadd.f32 v15, v6;
	v13 =	vadd.f32 v14, v6;
	vm10 =	vge.f32 v12, $0.0e+00  }
.LBB2_24:
0x1f6: {  	vm6 =	vlt.f32 v12, $2.000000000e+00  }
0x1f7: {  	v14 =	vld [tilespmem:s15+$0xFFFFFFE0];
	s14 =	sadd.s32 $0x8, s14;
	v11 =	vadd.f32 v11, v6;
	vm7 =	vmor vm5, vm8;
	vm5 =	vmmov vm9  }
0x1f8: {  	v12 =	vld [tilespmem:s15+$0x30];
	p0 =	slt.u32 s14, $0x18;
	vm8 =	vge.f32 v13, $0.0e+00;
	vm9 =	vlt.f32 v13, $2.000000000e+00;
	vm1 =	vmor vm7, vm1  }
0x1f9: {  	vm6 =	vmand vm10, vm6;
	v13 =	vld [tilespmem:s15+$0x20];
	vm7 =	vmand vm8, vm9;
	vm1 =	vmor vm1, vm4  }
0x1fa: {  	vm4 =	vge.f32 v11, $0.0e+00;
	vm8 =	vlt.f32 v11, $2.000000000e+00;
	v15 =	vld [tilespmem:s15+$0x10];
	vm3 =	vmor vm1, vm3  }
0x1fb: {  	v11 =	vadd.f32 v8, v6;
	vm1 =	vmand vm4, vm8;
	v16 =	vld [tilespmem:s15+$0x0];
	vm2 =	vmor vm2, vm3  }
0x1fc: {  	vm10 =	vlt.f32 v10, $2.000000000e+00;
	vm8 =	vlt.f32 v9, $2.000000000e+00;
	vm3 =	vge.f32 v7, $0.0e+00;
	v17 =	vld [tilespmem:s15+$0xFFFFFFF0]  }
0x1fd: {  	vm9 =	vlt.f32 v7, $2.000000000e+00;
	vm4 =	vge.f32 v11, $0.0e+00;
	v14 =	vmul.f32 $6.400000000e+01, v14;
	v18 =	vld [tilespmem:s15+$0xFFFFFFC0]  }
0x1fe: {  	vm11 =	vlt.f32 v11, $2.000000000e+00;
	v7 =	vmul.f32 $6.400000000e+01, v12;
	v19 =	vld [tilespmem:s15+$0xFFFFFFD0];
	v8 =	vmul.f32 $6.400000000e+01, v13  }
0x1ff: {  	vm4 =	vmand vm4, vm11;
	v12 =	vadd.f32 v14, v6;
	v11 =	vmul.f32 $6.400000000e+01, v15  }
0x200: {  	vm11 =	vge.f32 v9, $0.0e+00;
	v7 =	vadd.f32 v7, v6;
	v13 =	vmul.f32 $6.400000000e+01, v16  }
0x201: {  	vm13 =	vge.f32 v10, $0.0e+00;
	vm3 =	vmand vm3, vm9;
	vm12 =	vge.f32 v12, $0.0e+00  }
.Ltmp19:
0x202: {  	vm8 =	vmand vm11, vm8;
	vm9 =	vlt.f32 v12, $2.000000000e+00;
	v9 =	vmul.f32 $6.400000000e+01, v17;
	(pc) =	sbr.rel @p0 .LBB2_24-.Ltmp19, $4  }
0x203: {  	vm10 =	vmand vm13, vm10;
	vm9 =	vmand vm12, vm9;
	v10 =	vmul.f32 $6.400000000e+01, v18  }
0x204: {  	vm7 =	vmor vm10, vm7;
	v14 =	vmul.f32 $6.400000000e+01, v19;
	v12 =	vadd.f32 v9, v6  }
0x205: {  	vm5 =	vmor vm7, vm5;
	v9 =	vadd.f32 v13, v6;
	v10 =	vadd.f32 v10, v6  }
0x206: {  	vm5 =	vmor vm5, vm6;
	s15 =	sadd.s32 $0x400, s15;
	v13 =	vadd.f32 v14, v6;
	vm10 =	vge.f32 v12, $0.0e+00  }
0x207: {  	vm6 =	vlt.f32 v12, $2.000000000e+00;
	v11 =	vadd.f32 v11, v6;
	vm5 =	vmor vm5, vm8  }
0x208: {  	vm7 =	vmmov vm9;
	vm14 =	vlt.f32 v10, $2.000000000e+00;
	vm15 =	vge.f32 v10, $0.0e+00  }
0x209: {  	v8 =	vadd.f32 v8, v6;
	vm12 =	vge.f32 v13, $0.0e+00;
	vm13 =	vlt.f32 v13, $2.000000000e+00  }
0x20a: {  	vm1 =	vmor vm5, vm1;
	vm6 =	vmand vm10, vm6;
	vm5 =	vmand vm12, vm13  }
0x20b: {  	vm1 =	vmor vm1, vm4;
	vm12 =	vge.f32 v11, $0.0e+00;
	vm4 =	vmand vm15, vm14  }
0x20c: {  	vm13 =	vlt.f32 v11, $2.000000000e+00;
	vm14 =	vlt.f32 v9, $2.000000000e+00;
	vm4 =	vmor vm4, vm5  }
0x20d: {  	vm15 =	vge.f32 v9, $0.0e+00;
	vm8 =	vmand vm12, vm13;
	vm4 =	vmor vm4, vm7  }
0x20e: {  	vm12 =	vge.f32 v7, $0.0e+00;
	vm5 =	vmand vm15, vm14;
	vm4 =	vmor vm4, vm6  }
0x20f: {  	vm13 =	vge.f32 v8, $0.0e+00;
	vm14 =	vlt.f32 v8, $2.000000000e+00;
	vm4 =	vmor vm4, vm5  }
0x210: {  	vm15 =	vlt.f32 v7, $2.000000000e+00;
	vm6 =	vmand vm13, vm14;
	vm4 =	vmor vm4, vm8  }
0x211: {  	vm1 =	vmor vm1, vm3;
	vm3 =	vmand vm12, vm15;
	vm4 =	vmor vm4, vm6  }
0x212: {  	vm1 =	vmor vm2, vm1;
	vm2 =	vmor vm4, vm3  }
0x213: {  	vm1 =	vmor vm1, vm2  }
0x214: {  	v7 =	vmpcnt.ones.xlane vm1;
	_ =	sdelay $0x1  }
0x215: {  	(v2sf) =	vpush v7, $0x0;
	_ =	sdelay $0xe  }
0x216: {  	s14 =	spop (v2sf)  }
0x217: {  	p0 =	slt.s32 s14, $0x1  }
.Ltmp20:
0x218: {  	_ = 	snop;
	(pc) =	sbr.rel @p0 .LBB2_29-.Ltmp20, $1  }
0x219: {  	_ =	sdelay $0x3  }
0x21a: {  	s14 =	simm.s32 $0x0  }
0x21b: {  	s15 =	sand.u32 $0x18, s14  }
0x21c: {  	s15 =	sadd.s32 s9, s15  }
0x21d: {  	s17 =	sand.u32 $0x70, s14;
	s15 =	sshll.u32 s15, $0x7  }
0x21e: {  	s15 =	sor.u32 s17, s15  }
0x21f: {  	v7 =	vld [tilespmem:s15+$0x17000]  }
0x220: {  	v8 =	vld [tilespmem:s15+$0x18000];
	_ =	sdelay $0x2  }
0x221: {  	v9 =	vor.u32 s14, v0  }
0x222: {  	v9 =	vcvt.s32.f32 v9;
	v7 =	vmul.f32 $6.400000000e+01, v7  }
0x223: {  	v8 =	vmul.f32 $6.400000000e+01, v8  }
0x224: {  	v7 =	vadd.f32 v9, v7  }
0x225: {  	v8 =	vadd.f32 v8, v6  }
0x226: {  	v9 =	vmax.f32 v7, $-1.000000000e+00  }
0x227: {  	v10 =	vmax.f32 v8, $-1.000000000e+00;
	v9 =	vmin.f32 v9, $5.120000000e+02  }
0x228: {  	v10 =	vmin.f32 v10, $3.000000000e+00;
	v11 =	vtrunc.f32 v9  }
0x229: {  	v12 =	vtrunc.f32 v10;
	v11 =	vcvt.f32.s32 v11  }
0x22a: {  	v12 =	vcvt.f32.s32 v12  }
0x22b: {  	v11 =	vcvt.s32.f32 v11  }
0x22c: {  	v12 =	vcvt.s32.f32 v12  }
0x22d: {  	v13 =	vadd.f32 $-1.000000000e+00, v11  }
0x22e: {  	v14 =	vadd.f32 $-1.000000000e+00, v12;
	vm1 =	vlt.f32 v9, v11  }
0x22f: {  	vm2 =	vge.f32 v8, $0.0e+00;
	vm3 =	vlt.f32 v10, v12;
	v9 =	vsel vm1, v13, v11  }
0x230: {  	v10 =	vsel vm3, v14, v12;
	v11 =	vmax.f32 v9, $0.0e+00;
	v9 =	vadd.f32 $1.000000000e+00, v9  }
0x231: {  	v12 =	vmax.f32 v10, $0.0e+00;
	v10 =	vadd.f32 $1.000000000e+00, v10;
	v11 =	vmin.f32 v11, $5.110000000e+02  }
0x232: {  	v15 =	vmin.f32 v12, $2.000000000e+00;
	v9 =	vmax.f32 v9, $0.0e+00;
	v12 =	vtrunc.f32 v11  }
0x233: {  	v13 =	vtrunc.f32 v15;
	v10 =	vmax.f32 v10, $0.0e+00;
	v9 =	vmin.f32 v9, $5.110000000e+02  }
0x234: {  	v12 =	vcvt.f32.s32 v12;
	v17 =	vmin.f32 v10, $2.000000000e+00;
	v10 =	vcvt.f32.s32 v13  }
0x235: {  	vm1 =	vlt.f32 v8, $2.000000000e+00;
	v13 =	vtrunc.f32 v9;
	v14 =	vtrunc.f32 v17  }
0x236: {  	v16 =	vadd.s32 v12, v2;
	v18 =	vshll.u32 v10, $0xC;
	v10 =	vcvt.f32.s32 v14  }
0x237: {  	s29 =	simm.s32 $0x1;
	vm3 =	vmand vm2, vm1;
	v13 =	vcvt.f32.s32 v13;
	v14 =	vadd.s32 v18, v16  }
0x238: {  	s14 =	sand.u32 $0x18, s29;
	v12 =	vand.u32 $0x7F, v12;
	v14 =	vand.u32 $0xFFFFFF80, v14;
	v19 =	vshll.u32 v10, $0xC  }
0x239: {  	s31 =	simm.s32 $0x10;
	s14 =	sadd.s32 s9, s14;
	v10 =	vor.u32 v12, v14;
	v14 =	vadd.s32 v13, v2;
	v16 =	vadd.s32 v16, v19  }
0x23a: {  	s26 =	sand.u32 $0x70, s31;
	s14 =	sshll.u32 s14, $0x7;
	v18 =	vadd.s32 v18, v14;
	v19 =	vadd.s32 v19, v14;
	v14 =	vand.u32 $0xFFFFFF80, v16  }
0x23b: {  	s14 =	sor.u32 s26, s14;
	v13 =	vand.u32 $0x7F, v13;
	v14 =	vor.u32 v12, v14;
	v12 =	vand.u32 $0xFFFFFF80, v18  }
0x23c: {  	v18 =	vld [tilespmem:s14+$0x17000];
	v16 =	vor.u32 v13, v12;
	v12 =	vand.u32 $0xFFFFFF80, v19  }
0x23d: {  	v13 =	vor.u32 v13, v12;
	v12 =	vld [tilespmem:s14+$0x18000]  }
0x23e: {  	v23 =	vadd.s32 s13, v3;
	v21 =	vadd.s32 s13, v1  }
0x23f: {  	v22 =	vshrl.u32 v21, $0x2;
	v26 =	vand.u32 $0x7FFFF07F, v21;
	v21 =	vshll.u32 v21, $0x3;
	v20 =	vld.idx.msk [tilespmem:v10+s20+$0x0], vm3  }
0x240: {  	v27 =	vshrl.u32 v23, $0x2;
	v21 =	vand.u32 $0xC00, v21;
	s15 =	simm.s32 $0x20;
	v19 =	vor.u32 s31, v0;
	v24 =	vld.idx.msk [tilespmem:v14+s20+$0x0], vm3  }
0x241: {  	v57 =	vor.u32 s15, v0;
	v19 =	vcvt.s32.f32 v19;
	s14 =	sadd.s32 $0x30, s13;
	v18 =	vmul.f32 $6.400000000e+01, v18;
	v25 =	vld.idx.msk [tilespmem:v16+s20+$0x0], vm3  }
0x242: {  	vm1 =	vmmov vm3;
	v33 =	vadd.s32 s14, v1;
	v28 =	vld.idx.msk [tilespmem:v13+s20+$0x0], vm3;
	v29 =	vmul.f32 $6.400000000e+01, v12  }
0x243: {  	v12 =	vadd.f32 v19, v18;
	v18 =	vand.u32 $0x380, v22;
	v19 =	vsub.f32 v9, v7  }
0x244: {  	s28 =	simm.s32 $0x2;
	v22 =	vsub.f32 v7, v11;
	v7 =	vor.u32 v21, v26;
	v21 =	vsub.f32 v8, v15  }
0x245: {  	s29 =	sand.u32 $0x18, s28;
	v7 =	vor.u32 v18, v7;
	v11 =	vadd.f32 v29, v6;
	v9 =	vmax.f32 v12, $-1.000000000e+00  }
0x246: {  	s31 =	sadd.s32 s9, s29;
	v18 =	vmul.f32 v19, v20;
	v20 =	vsub.f32 v17, v8;
	v25 =	vmul.f32 v22, v25  }
0x247: {  	s26 =	sand.u32 $0x70, s15;
	s17 =	sshll.u32 s31, $0x7;
	v24 =	vmul.f32 v19, v24;
	v26 =	vmul.f32 v22, v28;
	v28 =	vmax.f32 v11, $-1.000000000e+00  }
0x248: {  	s17 =	sor.u32 s26, s17;
	v9 =	vmin.f32 v9, $5.120000000e+02;
	v8 =	vmin.f32 v28, $3.000000000e+00;
	v15 =	vadd.f32 v18, v25  }
0x249: {  	v35 =	vld [tilespmem:s17+$0x17000];
	v18 =	vtrunc.f32 v9;
	v17 =	vadd.f32 v24, v26;
	v24 =	vtrunc.f32 v8  }
0x24a: {  	v36 =	vand.u32 $0x7FFFF07F, v33;
	v18 =	vcvt.f32.s32 v18;
	v15 =	vmul.f32 v15, v20  }
0x24b: {  	vm2 =	vge.f32 v11, $0.0e+00;
	v24 =	vcvt.f32.s32 v24;
	v17 =	vmul.f32 v17, v21  }
0x24c: {  	vm4 =	vlt.f32 v11, $2.000000000e+00;
	v25 =	vand.u32 $0x7FFFF07F, v23;
	v23 =	vshll.u32 v23, $0x3  }
0x24d: {  	v18 =	vcvt.s32.f32 v18;
	v24 =	vcvt.s32.f32 v24;
	v15 =	vadd.f32 v17, v15  }
0x24e: {  	v59 =	vmul.f32 $6.400000000e+01, v35;
	vm2 =	vmand vm2, vm4;
	v17 =	vand.u32 $0xC00, v23  }
0x24f: {  	v23 =	vand.u32 $0x380, v27;
	[tilespmem:v7+s25+$0x0] =	vst.idx.msk vm3, v15;
	v7 =	vadd.f32 $-1.000000000e+00, v18;
	v15 =	vadd.f32 $-1.000000000e+00, v24  }
0x250: {  	vm5 =	vlt.f32 v9, v18;
	v17 =	vor.u32 v17, v25;
	vm6 =	vlt.f32 v8, v24;
	v25 =	vld.idx.msk [tilespmem:v10+s22+$0x0], vm3  }
0x251: {  	v17 =	vor.u32 v23, v17;
	v8 =	vld.idx.msk [tilespmem:v14+s22+$0x0], vm3;
	v7 =	vsel vm5, v7, v18;
	v9 =	vsel vm6, v15, v24  }
0x252: {  	v26 =	vld.idx.msk [tilespmem:v13+s22+$0x0], vm3;
	v18 =	vmax.f32 v7, $0.0e+00;
	v7 =	vadd.f32 $1.000000000e+00, v7;
	v24 =	vmax.f32 v9, $0.0e+00  }
0x253: {  	v15 =	vld.idx.msk [tilespmem:v16+s22+$0x0], vm3;
	v9 =	vadd.f32 $1.000000000e+00, v9;
	v27 =	vmin.f32 v18, $5.110000000e+02;
	v28 =	vmin.f32 v24, $2.000000000e+00  }
0x254: {  	v7 =	vmax.f32 v7, $0.0e+00;
	v18 =	vtrunc.f32 v27;
	v24 =	vtrunc.f32 v28  }
0x255: {  	v29 =	vmin.f32 v7, $5.110000000e+02;
	v7 =	vmax.f32 v9, $0.0e+00;
	v9 =	vcvt.f32.s32 v18  }
0x256: {  	v23 =	vadd.s32 s13, v4;
	v18 =	vcvt.f32.s32 v24;
	v25 =	vmul.f32 v19, v25  }
0x257: {  	v8 =	vmul.f32 v19, v8;
	v26 =	vmul.f32 v22, v26;
	v30 =	vmin.f32 v7, $2.000000000e+00  }
0x258: {  	v7 =	vtrunc.f32 v29;
	v15 =	vmul.f32 v22, v15;
	v24 =	vadd.s32 v9, v2  }
0x259: {  	v18 =	vshll.u32 v18, $0xC;
	v31 =	vtrunc.f32 v30;
	v9 =	vand.u32 $0x7F, v9  }
0x25a: {  	v8 =	vadd.f32 v8, v26;
	v25 =	vadd.f32 v25, v15;
	v31 =	vcvt.f32.s32 v31  }
0x25b: {  	v26 =	vcvt.f32.s32 v7;
	v32 =	vadd.s32 v18, v24;
	v15 =	vadd.s32 s14, v3  }
0x25c: {  	v8 =	vmul.f32 v8, v21;
	v25 =	vmul.f32 v25, v20;
	v31 =	vshll.u32 v31, $0xC  }
0x25d: {  	v32 =	vand.u32 $0xFFFFFF80, v32;
	v34 =	vadd.s32 v26, v2;
	v24 =	vadd.s32 v24, v31  }
0x25e: {  	v7 =	vor.u32 v9, v32;
	v25 =	vadd.f32 v8, v25;
	v8 =	vand.u32 $0xFFFFFF80, v24  }
0x25f: {  	v18 =	vadd.s32 v18, v34;
	v31 =	vadd.s32 v31, v34;
	v8 =	vor.u32 v9, v8  }
0x260: {  	v24 =	vld [tilespmem:s17+$0x18000];
	v9 =	vand.u32 $0xFFFFFF80, v18;
	v18 =	vand.u32 $0x7F, v26;
	[tilespmem:v17+s25+$0x0] =	vst.idx.msk vm1, v25;
	v17 =	vand.u32 $0xFFFFFF80, v31  }
0x261: {  	v9 =	vor.u32 v18, v9;
	v25 =	vshrl.u32 v23, $0x2;
	v31 =	vld.idx.msk [tilespmem:v10+s23+$0x0], vm1;
	v10 =	vor.u32 v18, v17  }
0x262: {  	v17 =	vshll.u32 v23, $0x3;
	v23 =	vand.u32 $0x7FFFF07F, v23;
	v58 =	vld.idx.msk [tilespmem:v14+s23+$0x0], vm1;
	v14 =	vshrl.u32 v33, $0x2  }
0x263: {  	v18 =	vshrl.u32 v15, $0x2;
	v37 =	vld.idx.msk [tilespmem:v16+s23+$0x0], vm1;
	v16 =	vcvt.s32.f32 v57;
	v33 =	vshll.u32 v33, $0x3  }
0x264: {  	v60 =	vld.idx.msk [tilespmem:v13+s23+$0x0], vm1;
	v25 =	vand.u32 $0x380, v25;
	v13 =	vand.u32 $0xC00, v33;
	v17 =	vand.u32 $0xC00, v17  }
0x265: {  	v26 =	vld.idx.msk [tilespmem:v7+s20+$0x0], vm2;
	v24 =	vmul.f32 $6.400000000e+01, v24;
	v16 =	vadd.f32 v16, v59;
	v17 =	vor.u32 v17, v23  }
0x266: {  	v23 =	vand.u32 $0x380, v14;
	v13 =	vor.u32 v13, v36;
	v61 =	vld.idx.msk [tilespmem:v8+s20+$0x0], vm2;
	v17 =	vor.u32 v25, v17  }
0x267: {  	v23 =	vor.u32 v23, v13;
	v13 =	vsub.f32 v29, v12;
	v12 =	vsub.f32 v12, v27;
	v62 =	vld.idx.msk [tilespmem:v9+s20+$0x0], vm2  }
0x268: {  	v14 =	vadd.f32 v24, v6;
	v63 =	vld.idx.msk [tilespmem:v10+s20+$0x0], vm2;
	v31 =	vmul.f32 v19, v31;
	v37 =	vmul.f32 v37, v22  }
0x269: {  	v24 =	vmax.f32 v16, $-1.000000000e+00;
	v19 =	vmul.f32 v58, v19;
	v22 =	vmul.f32 v60, v22  }
0x26a: {  	v25 =	vmin.f32 v24, $5.120000000e+02;
	v24 =	vmul.f32 v13, v26;
	v31 =	vadd.f32 v37, v31  }
0x26b: {  	v29 =	vmax.f32 v14, $-1.000000000e+00;
	v22 =	vadd.f32 v22, v19;
	v27 =	vmul.f32 v13, v61  }
0x26c: {  	v19 =	vsub.f32 v11, v28;
	v26 =	vmul.f32 v12, v62;
	v20 =	vmul.f32 v31, v20  }
0x26d: {  	[smem:$0x1] =	sst s16;
	s17 =	simm.s32 $0x3;
	v11 =	vsub.f32 v30, v11;
	v22 =	vmul.f32 v22, v21;
	v28 =	vmul.f32 v12, v63  }
.LBB2_27:
0x26e: {  	v29 =	vmin.f32 v29, $3.000000000e+00  }
0x26f: {  	p0 =	sne.s32 s17, $0x1F;
	v24 =	vadd.f32 v24, v26;
	v26 =	vadd.f32 v27, v28;
	v21 =	vmovc v19;
	vm3 =	vmmov vm2  }
0x270: {  	v19 =	vtrunc.f32 v25;
	v27 =	vtrunc.f32 v29;
	v20 =	vadd.f32 v22, v20  }
0x271: {  	v22 =	vmul.f32 v24, v11;
	v24 =	vmul.f32 v26, v21;
	v26 =	vand.u32 $0x7FFFF07F, v15  }
0x272: {  	v19 =	vcvt.f32.s32 v19;
	v27 =	vcvt.f32.s32 v27;
	v15 =	vshll.u32 v15, $0x3;
	[tilespmem:v17+s25+$0x0] =	vst.idx.msk vm1, v20  }
0x273: {  	v18 =	vand.u32 $0x380, v18;
	v15 =	vand.u32 $0xC00, v15;
	v17 =	vadd.f32 v24, v22  }
0x274: {  	v19 =	vcvt.s32.f32 v19;
	v20 =	vcvt.s32.f32 v27;
	v15 =	vor.u32 v15, v26  }
0x275: {  	vm1 =	vmmov vm2;
	[tilespmem:v23+s25+$0x0] =	vst.idx.msk vm2, v17;
	v17 =	vor.u32 v18, v15;
	v18 =	vadd.s32 s14, v4  }
0x276: {  	vm4 =	vge.f32 v14, $0.0e+00;
	v15 =	vadd.f32 $-1.000000000e+00, v19;
	v22 =	vadd.f32 $-1.000000000e+00, v20;
	v23 =	vld.idx.msk [tilespmem:v7+s22+$0x0], vm2  }
0x277: {  	vm5 =	vlt.f32 v14, $2.000000000e+00;
	vm6 =	vlt.f32 v25, v19;
	vm7 =	vlt.f32 v29, v20;
	v24 =	vld.idx.msk [tilespmem:v8+s22+$0x0], vm2  }
0x278: {  	v15 =	vsel vm6, v15, v19;
	v19 =	vsel vm7, v22, v20;
	v20 =	vld.idx.msk [tilespmem:v9+s22+$0x0], vm2;
	vm2 =	vmand vm4, vm5  }
0x279: {  	v22 =	vmax.f32 v15, $0.0e+00;
	v15 =	vadd.f32 $1.000000000e+00, v15;
	v25 =	vmax.f32 v19, $0.0e+00;
	v26 =	vld.idx.msk [tilespmem:v10+s22+$0x0], vm3  }
0x27a: {  	v19 =	vadd.f32 $1.000000000e+00, v19;
	v22 =	vmin.f32 v22, $5.110000000e+02;
	v27 =	vmin.f32 v25, $2.000000000e+00  }
0x27b: {  	v15 =	vmax.f32 v15, $0.0e+00;
	v25 =	vtrunc.f32 v22;
	v28 =	vtrunc.f32 v27  }
0x27c: {  	v29 =	vmin.f32 v15, $5.110000000e+02;
	v15 =	vmax.f32 v19, $0.0e+00;
	v19 =	vcvt.f32.s32 v25  }
0x27d: {  	v25 =	vcvt.f32.s32 v28;
	v30 =	vmin.f32 v15, $2.000000000e+00;
	v15 =	vtrunc.f32 v29  }
0x27e: {  	v23 =	vmul.f32 v13, v23;
	v28 =	vadd.s32 v19, v2;
	v20 =	vmul.f32 v12, v20  }
0x27f: {  	v24 =	vmul.f32 v13, v24;
	v25 =	vshll.u32 v25, $0xC;
	v26 =	vmul.f32 v12, v26  }
0x280: {  	v31 =	vtrunc.f32 v30;
	v19 =	vand.u32 $0x7F, v19;
	v32 =	vadd.s32 v25, v28  }
0x281: {  	s26 =	sand.u32 $0x18, s17;
	v32 =	vand.u32 $0xFFFFFF80, v32;
	v20 =	vadd.f32 v23, v20;
	v23 =	vadd.f32 v24, v26  }
0x282: {  	s15 =	sadd.s32 $0x10, s15;
	s26 =	sadd.s32 s9, s26;
	s14 =	sadd.s32 $0x30, s14;
	v24 =	vcvt.f32.s32 v15;
	v26 =	vcvt.f32.s32 v31;
	v31 =	vor.u32 v19, v32  }
0x283: {  	s28 =	sand.u32 $0x70, s15;
	s26 =	sshll.u32 s26, $0x7;
	v15 =	vadd.s32 s14, v3;
	v20 =	vmul.f32 v20, v11;
	v23 =	vmul.f32 v23, v21  }
0x284: {  	s26 =	sor.u32 s28, s26;
	v33 =	vadd.s32 s14, v1;
	v32 =	vor.u32 s15, v0;
	v26 =	vshll.u32 v26, $0xC  }
0x285: {  	v35 =	vadd.s32 v24, v2;
	v28 =	vadd.s32 v28, v26;
	v20 =	vadd.f32 v23, v20;
	v34 =	vld [tilespmem:s26+$0x18000]  }
0x286: {  	v25 =	vadd.s32 v25, v35;
	v26 =	vadd.s32 v26, v35;
	v28 =	vand.u32 $0xFFFFFF80, v28;
	v23 =	vld [tilespmem:s26+$0x17000]  }
0x287: {  	v24 =	vand.u32 $0x7F, v24;
	v25 =	vand.u32 $0xFFFFFF80, v25;
	v19 =	vor.u32 v19, v28;
	v35 =	vld.idx.msk [tilespmem:v31+s20+$0x0], vm2;
	[tilespmem:v17+s25+$0x0] =	vst.idx.msk vm1, v20  }
0x288: {  	v17 =	vor.u32 v24, v25;
	v20 =	vand.u32 $0xFFFFFF80, v26;
	v26 =	vshrl.u32 v18, $0x2;
	v25 =	vld.idx.msk [tilespmem:v7+s23+$0x0], vm1;
	v7 =	vmovc v31  }
0x289: {  	v28 =	vshll.u32 v18, $0x3;
	v20 =	vor.u32 v24, v20;
	v31 =	vand.u32 $0x7FFFF07F, v18;
	v24 =	vld.idx.msk [tilespmem:v8+s23+$0x0], vm1;
	v8 =	vmovc v19  }
0x28a: {  	v36 =	vshrl.u32 v33, $0x2;
	v37 =	vand.u32 $0x7FFFF07F, v33;
	v18 =	vshrl.u32 v15, $0x2;
	v38 =	vld.idx.msk [tilespmem:v9+s23+$0x0], vm1;
	v9 =	vmovc v17  }
0x28b: {  	v33 =	vshll.u32 v33, $0x3;
	v32 =	vcvt.s32.f32 v32;
	v23 =	vmul.f32 $6.400000000e+01, v23;
	v39 =	vld.idx.msk [tilespmem:v10+s23+$0x0], vm1;
	v10 =	vmovc v20  }
0x28c: {  	v28 =	vand.u32 $0xC00, v28;
	v26 =	vand.u32 $0x380, v26;
	v40 =	vld.idx.msk [tilespmem:v19+s20+$0x0], vm2;
	v19 =	vand.u32 $0xC00, v33  }
0x28d: {  	v33 =	vmul.f32 $6.400000000e+01, v34;
	v32 =	vadd.f32 v32, v23;
	v34 =	vld.idx.msk [tilespmem:v17+s20+$0x0], vm2;
	v17 =	vor.u32 v28, v31  }
0x28e: {  	v23 =	vand.u32 $0x380, v36;
	v19 =	vor.u32 v19, v37;
	v20 =	vld.idx.msk [tilespmem:v20+s20+$0x0], vm2;
	v17 =	vor.u32 v26, v17  }
0x28f: {  	v31 =	vadd.f32 v33, v6;
	v23 =	vor.u32 v23, v19;
	v26 =	vmax.f32 v32, $-1.000000000e+00  }
0x290: {  	v28 =	vmul.f32 v13, v25;
	v19 =	vsub.f32 v29, v16;
	v33 =	vmul.f32 v38, v12  }
.Ltmp21:
0x291: {  	v36 =	vmul.f32 v24, v13;
	v37 =	vmul.f32 v39, v12;
	v12 =	vsub.f32 v16, v22;
	v16 =	vmovc v32;
	(pc) =	sbr.rel @p0 .LBB2_27-.Ltmp21, $4  }
0x292: {  	v25 =	vmin.f32 v26, $5.120000000e+02;
	v29 =	vmax.f32 v31, $-1.000000000e+00;
	v24 =	vmul.f32 v19, v35;
	v13 =	vmovc v19  }
0x293: {  	v22 =	vadd.f32 v33, v28;
	v26 =	vmul.f32 v12, v34;
	v32 =	vadd.f32 v37, v36  }
0x294: {  	v19 =	vsub.f32 v14, v27;
	v27 =	vmul.f32 v13, v40;
	v28 =	vmul.f32 v12, v20  }
0x295: {  	s17 =	sadd.s32 $0x1, s17;
	v20 =	vmul.f32 v22, v11;
	v11 =	vsub.f32 v30, v14;
	v14 =	vmovc v31;
	v22 =	vmul.f32 v32, v21  }
0x296: {  	v6 =	vmin.f32 v29, $3.000000000e+00;
	v21 =	vtrunc.f32 v25  }
0x297: {  	v29 =	vtrunc.f32 v6;
	v21 =	vcvt.f32.s32 v21  }
0x298: {  	v29 =	vcvt.f32.s32 v29  }
0x299: {  	v21 =	vcvt.s32.f32 v21  }
0x29a: {  	v29 =	vcvt.s32.f32 v29  }
0x29b: {  	v30 =	vadd.f32 $-1.000000000e+00, v21  }
0x29c: {  	vm3 =	vlt.f32 v25, v21;
	v31 =	vadd.f32 $-1.000000000e+00, v29  }
0x29d: {  	vm4 =	vge.f32 v14, $0.0e+00;
	vm5 =	vlt.f32 v6, v29;
	v6 =	vsel vm3, v30, v21  }
0x29e: {  	vm3 =	vlt.f32 v14, $2.000000000e+00;
	v40 =	vsel vm5, v31, v29;
	v41 =	vmax.f32 v6, $0.0e+00  }
0x29f: {  	v6 =	vadd.f32 $1.000000000e+00, v6;
	vm4 =	vmand vm4, vm3;
	v29 =	vmax.f32 v40, $0.0e+00  }
0x2a0: {  	v25 =	vmin.f32 v41, $5.110000000e+02;
	v21 =	vadd.f32 $1.000000000e+00, v40;
	v29 =	vmin.f32 v29, $2.000000000e+00  }
0x2a1: {  	v6 =	vmax.f32 v6, $0.0e+00;
	v42 =	vtrunc.f32 v25;
	v43 =	vtrunc.f32 v29  }
0x2a2: {  	v6 =	vmin.f32 v6, $5.110000000e+02;
	v21 =	vmax.f32 v21, $0.0e+00;
	v30 =	vcvt.f32.s32 v42  }
0x2a3: {  	v21 =	vmin.f32 v21, $2.000000000e+00;
	v31 =	vcvt.f32.s32 v43;
	v32 =	vtrunc.f32 v6  }
0x2a4: {  	v33 =	vtrunc.f32 v21;
	v34 =	vadd.s32 v30, v2;
	v32 =	vcvt.f32.s32 v32  }
0x2a5: {  	v30 =	vand.u32 $0x7F, v30;
	v31 =	vshll.u32 v31, $0xC;
	v33 =	vcvt.f32.s32 v33  }
0x2a6: {  	v35 =	vadd.s32 v31, v34;
	v36 =	vadd.s32 v32, v2;
	v32 =	vand.u32 $0x7F, v32  }
0x2a7: {  	v35 =	vand.u32 $0xFFFFFF80, v35;
	v33 =	vshll.u32 v33, $0xC;
	v31 =	vadd.s32 v31, v36  }
0x2a8: {  	v35 =	vor.u32 v30, v35;
	v34 =	vadd.s32 v34, v33;
	v31 =	vand.u32 $0xFFFFFF80, v31  }
0x2a9: {  	v33 =	vadd.s32 v33, v36;
	v34 =	vand.u32 $0xFFFFFF80, v34;
	v31 =	vor.u32 v32, v31  }
0x2aa: {  	v33 =	vand.u32 $0xFFFFFF80, v33;
	v30 =	vor.u32 v30, v34  }
0x2ab: {  	v32 =	vor.u32 v32, v33;
	_ =	sdelay $0x1  }
0x2ac: {  	v45 =	vld.idx.msk [tilespmem:v35+s20+$0x0], vm4  }
0x2ad: {  	v47 =	vld.idx.msk [tilespmem:v31+s20+$0x0], vm4  }
0x2ae: {  	v24 =	vadd.f32 v24, v26;
	v44 =	vadd.f32 v27, v28;
	v46 =	vld.idx.msk [tilespmem:v30+s20+$0x0], vm4  }
0x2af: {  	s15 =	sadd.s32 $0x30, s14;
	v48 =	vld.idx.msk [tilespmem:v32+s20+$0x0], vm4  }
0x2b0: {  	v49 =	vadd.s32 s15, v1;
	v24 =	vmul.f32 v24, v11;
	v26 =	vmul.f32 v44, v19  }
0x2b1: {  	v51 =	vshll.u32 v49, $0x3;
	v6 =	vsub.f32 v6, v16;
	v16 =	vsub.f32 v16, v25  }
0x2b2: {  	v50 =	vand.u32 $0x7FFFF07F, v49;
	v52 =	vand.u32 $0xC00, v51  }
0x2b3: {  	v24 =	vadd.f32 v26, v24;
	v53 =	vmul.f32 v6, v45;
	v54 =	vmul.f32 v16, v47  }
0x2b4: {  	v26 =	vshrl.u32 v49, $0x2;
	v55 =	vmul.f32 v6, v46;
	v56 =	vmul.f32 v16, v48  }
0x2b5: {  	v26 =	vand.u32 $0x380, v26;
	[tilespmem:v23+s25+$0x0] =	vst.idx.msk vm2, v24;
	v29 =	vsub.f32 v14, v29;
	v14 =	vsub.f32 v21, v14  }
0x2b6: {  	v23 =	vor.u32 v52, v50;
	v24 =	vadd.f32 v53, v54;
	v25 =	vadd.f32 v55, v56  }
0x2b7: {  	v57 =	vld.idx.msk [tilespmem:v7+s22+$0x0], vm2;
	v23 =	vor.u32 v26, v23  }
0x2b8: {  	v58 =	vld.idx.msk [tilespmem:v8+s22+$0x0], vm2;
	v24 =	vmul.f32 v24, v14;
	v25 =	vmul.f32 v25, v29  }
0x2b9: {  	v59 =	vld.idx.msk [tilespmem:v9+s22+$0x0], vm2  }
0x2ba: {  	v60 =	vld.idx.msk [tilespmem:v10+s22+$0x0], vm2;
	v24 =	vadd.f32 v25, v24;
	_ =	sdelay $0x1  }
0x2bb: {  	[tilespmem:v23+s25+$0x0] =	vst.idx.msk vm4, v24  }
0x2bc: {  	v33 =	vld.idx.msk [tilespmem:v35+s22+$0x0], vm4  }
0x2bd: {  	v61 =	vmul.f32 v12, v59;
	v62 =	vmul.f32 v13, v58;
	v34 =	vld.idx.msk [tilespmem:v30+s22+$0x0], vm4  }
0x2be: {  	v38 =	vshll.u32 v15, $0x3;
	v63 =	vmul.f32 v12, v60;
	v21 =	vmul.f32 v13, v57;
	v36 =	vld.idx.msk [tilespmem:v31+s22+$0x0], vm4  }
0x2bf: {  	v37 =	vand.u32 $0x7FFFF07F, v15;
	v18 =	vand.u32 $0x380, v18;
	v15 =	vand.u32 $0xC00, v38;
	v39 =	vld.idx.msk [tilespmem:v32+s22+$0x0], vm4  }
0x2c0: {  	v15 =	vor.u32 v15, v37;
	v21 =	vadd.f32 v21, v61;
	v23 =	vadd.f32 v62, v63  }
0x2c1: {  	v15 =	vor.u32 v18, v15;
	vm3 =	vmmov vm2;
	v40 =	vadd.s32 s15, v3  }
0x2c2: {  	v18 =	vand.u32 $0x7FFFF07F, v40;
	v21 =	vmul.f32 v21, v11;
	v23 =	vmul.f32 v23, v19  }
0x2c3: {  	v43 =	vshll.u32 v40, $0x3;
	v42 =	vmul.f32 v6, v33;
	v24 =	vmul.f32 v16, v36  }
0x2c4: {  	v26 =	vand.u32 $0xC00, v43;
	v27 =	vmul.f32 v6, v34;
	v28 =	vmul.f32 v16, v39  }
0x2c5: {  	v41 =	vshrl.u32 v40, $0x2;
	v18 =	vor.u32 v26, v18;
	v21 =	vadd.f32 v23, v21  }
0x2c6: {  	v23 =	vand.u32 $0x380, v41;
	v24 =	vadd.f32 v42, v24;
	v44 =	vadd.f32 v27, v28  }
0x2c7: {  	v18 =	vor.u32 v23, v18  }
0x2c8: {  	[tilespmem:v15+s25+$0x0] =	vst.idx.msk vm3, v21;
	v45 =	vmul.f32 v24, v14;
	v46 =	vmul.f32 v44, v29  }
0x2c9: {  	v7 =	vld.idx.msk [tilespmem:v7+s23+$0x0], vm3  }
0x2ca: {  	vm2 =	vmmov vm4;
	v47 =	vld.idx.msk [tilespmem:v8+s23+$0x0], vm3;
	v15 =	vadd.f32 v46, v45  }
0x2cb: {  	v48 =	vld.idx.msk [tilespmem:v9+s23+$0x0], vm3  }
0x2cc: {  	v49 =	vld.idx.msk [tilespmem:v10+s23+$0x0], vm3;
	[tilespmem:v18+s25+$0x0] =	vst.idx.msk vm4, v15  }
0x2cd: {  	v18 =	vld.idx.msk [tilespmem:v35+s23+$0x0], vm4  }
0x2ce: {  	v50 =	vadd.s32 s14, v4;
	v52 =	vld.idx.msk [tilespmem:v30+s23+$0x0], vm4  }
0x2cf: {  	v51 =	vshll.u32 v50, $0x3;
	v57 =	vadd.s32 s15, v4;
	v54 =	vld.idx.msk [tilespmem:v31+s23+$0x0], vm4  }
0x2d0: {  	v58 =	vshrl.u32 v57, $0x2;
	v7 =	vmul.f32 v13, v7;
	v9 =	vmul.f32 v48, v12;
	v55 =	vld.idx.msk [tilespmem:v32+s23+$0x0], vm2  }
0x2d1: {  	v53 =	vshrl.u32 v50, $0x2;
	v8 =	vmul.f32 v47, v13;
	v10 =	vmul.f32 v49, v12  }
0x2d2: {  	v61 =	vshll.u32 v57, $0x3;
	v21 =	vand.u32 $0xC00, v51;
	v24 =	vand.u32 $0x380, v53  }
0x2d3: {  	v15 =	vand.u32 $0x7FFFF07F, v50;
	v7 =	vadd.f32 v9, v7;
	v8 =	vadd.f32 v10, v8  }
0x2d4: {  	v9 =	vand.u32 $0x7FFFF07F, v57;
	v59 =	vmul.f32 v6, v18;
	v60 =	vmul.f32 v54, v16  }
0x2d5: {  	v15 =	vor.u32 v21, v15;
	v6 =	vmul.f32 v52, v6;
	v16 =	vmul.f32 v55, v16  }
0x2d6: {  	v10 =	vand.u32 $0x380, v58;
	v56 =	vor.u32 v24, v15;
	v18 =	vand.u32 $0xC00, v61  }
0x2d7: {  	v9 =	vor.u32 v18, v9;
	v13 =	vadd.f32 v60, v59;
	v6 =	vadd.f32 v16, v6  }
0x2d8: {  	v7 =	vmul.f32 v7, v11;
	v8 =	vmul.f32 v8, v19;
	v9 =	vor.u32 v10, v9  }
.Ltmp22:
0x2d9: {  	v62 =	vadd.f32 v22, v20;
	v63 =	vmul.f32 v13, v14;
	v6 =	vmul.f32 v6, v29;
	(pc) =	sbr.rel .LBB2_29-.Ltmp22, $4  }
0x2da: {  	v7 =	vadd.f32 v8, v7  }
0x2db: {  	[tilespmem:v17+s25+$0x0] =	vst.idx.msk vm1, v62;
	v6 =	vadd.f32 v6, v63  }
0x2dc: {  	[tilespmem:v56+s25+$0x0] =	vst.idx.msk vm3, v7  }
0x2dd: {  	s31 =	simm.s32 $0x1;
	[tilespmem:v9+s25+$0x0] =	vst.idx.msk vm2, v6  }
.LBB2_32:
0x2de: {  	_ =	sfence.sel $0x180000  }
0x2df: {  	[bflag:$0x0] =	sbarrier.arrive $0xFFFF  }
0x2e0: {  	_ =	strace $0x90000047  }
0x2e1: {  	s0 =	stileid.u32;
	[bflag:$0x2] =	sbarrier.arrive $0xFFFF  }
0x2e2: {  	p0 =	sne.s32 s0, $0x0;
	s0 =	rddreg [dreg:$0x3]  }
0x2e3: {  	s0 =	sadd.s32 @!p0 $0x100000, s0  }
0x2e4: {  	[sflag:s0] =	ssyncadd.tile.s32 @!p0 $0x1;
	_ =	shalt  }
.Lfunc_end2:
_tile_overlayer_lowered:
.L_overlay_start_2:
0x2e5: {  	(tag) =	ssettag $0x2  }
0x2e6: {  	s0 =	rddreg [dreg:$0x0];
	s2 =	stileid.u32  }
0x2e7: {  	s1 =	rddreg [dreg:$0x1];
	p0 =	sne.s32 s2, $0x0  }
0x2e8: {  	s3 =	rddreg [dreg:$0x2];
	[bflag:$0x3] =	sbarrier.arrive $0xFFFF;
	s2 =	simm.s32 @!p0 $0x1C05  }
0x2e9: {  	[timem:s3], [sflag:s2] =	dma.local @!p0 [hbm:s0], s1  }
0x2ea: {  	s0 =	simm.s32 @!p0 $0x5  }
0x2eb: {  	_ =	swait.ge @!p0 [sflag:s0], s1  }
0x2ec: {  	s1 =	ssub.s32 @!p0 $0x0, s1;
	[sflag:s0] =	ssyncset.done @!p0 $0x0  }
0x2ed: {  	[sflag:s0] =	ssyncadd.s32 @!p0 s1  }
0x2ee: {  	[bflag:$0x3] =	sbarrier.arrive $0xFFFF  }
0x2ef: {  	_ =	shalt  }

</sc_bundles>
